<compile_context>
chip_gen: v7x
topology: tpu7x:2x2x1
jax: 0.10.2.dev20260603
libtpu: 0.0.44.dev20260713+nightly
codegen_flags: <defaults>
</compile_context>

<pallas_src>
import dataclasses
import functools

import jax
import jax.numpy as jnp
from jax import lax
from jax.experimental import pallas as pl
from jax.experimental.pallas import tpu as pltpu
from jax.experimental.pallas import tpu_sc as plsc

N = 32768
E = 524288
BS = 1024
NPG = 32
IN_CH = 128
HID = 64
HHID = HID // 2
NC = 10

NSUB = 16
NCORE = 2
CH = 128
ROWS_A = (E // CH) // (NCORE * NSUB)
ROWS_C = (E // CH) // NSUB
ROWS_B = 64
NPT = N // NSUB

_sc_params = pltpu.CompilerParams()
if "needs_layout_passes" in pltpu.CompilerParams.__dataclass_fields__:
    _sc_params = dataclasses.replace(_sc_params, needs_layout_passes=False)
if "use_tc_tiling_on_sc" in pltpu.CompilerParams.__dataclass_fields__:
    _sc_params = dataclasses.replace(_sc_params, use_tc_tiling_on_sc=False)

_mesh = plsc.VectorSubcoreMesh(core_axis_name="c", subcore_axis_name="s")


@functools.partial(
    pl.kernel,
    out_type=jax.ShapeDtypeStruct((NCORE, N), jnp.float32),
    mesh=_mesh,
    scratch_types=[
        pltpu.VMEM((ROWS_A, CH), jnp.int32),
        pltpu.VMEM((ROWS_A, CH), jnp.float32),
        pltpu.VMEM((NPT,), jnp.float32),
        pltpu.VMEM_SHARED((N,), jnp.float32),
    ],
)
def _deg_partials(col_hbm, w_hbm, out_hbm, colv, wv, zbuf, deg_sh):
    c = lax.axis_index("c")
    s = lax.axis_index("s")
    tid = c * jnp.int32(NSUB) + s

    @pl.loop(0, NPT // 16)
    def _zero(i):
        zbuf[pl.ds(i * jnp.int32(16), 16)] = jnp.zeros((16,), jnp.float32)

    pltpu.sync_copy(zbuf, deg_sh.at[pl.ds(s * jnp.int32(NPT), NPT)])
    plsc.subcore_barrier()

    pltpu.sync_copy(col_hbm.at[pl.ds(tid * jnp.int32(ROWS_A), ROWS_A)], colv)
    pltpu.sync_copy(w_hbm.at[pl.ds(tid * jnp.int32(ROWS_A), ROWS_A)], wv)

    @pl.loop(0, ROWS_A)
    def _acc(j):
        pltpu.sync_copy(wv.at[j], deg_sh.at[colv.at[j]], add=True)

    plsc.subcore_barrier()
    pltpu.sync_copy(deg_sh.at[pl.ds(s * jnp.int32(NPT), NPT)],
                    out_hbm.at[c, pl.ds(s * jnp.int32(NPT), NPT)])


@functools.partial(
    pl.kernel,
    out_type=[jax.ShapeDtypeStruct((N, HHID), jnp.float32),
              jax.ShapeDtypeStruct((N, HHID), jnp.float32)],
    mesh=_mesh,
    scratch_types=[
        pltpu.VMEM((ROWS_B, CH), jnp.int32),
        pltpu.VMEM((ROWS_B, CH), jnp.int32),
        pltpu.VMEM((ROWS_B * CH,), jnp.float32),
        pltpu.VMEM((CH, HHID), jnp.float32),
        pltpu.VMEM((CH, HHID), jnp.float32),
        pltpu.VMEM((64, HHID), jnp.float32),
        pltpu.VMEM_SHARED((N, HHID), jnp.float32),
        pltpu.SemaphoreType.DMA,
        pltpu.SemaphoreType.DMA,
        pltpu.SemaphoreType.DMA,
        pltpu.SemaphoreType.DMA,
    ],
    compiler_params=_sc_params,
)
def _edge_scatter(row_hbm, col_hbm, w_hbm, g0_hbm, g1_hbm, p0_hbm, p1_hbm,
                  rowv, colv, wblk, G0, G1, zbuf, p_sh, sem0, sem1,
                  ssem0, ssem1):
    c = lax.axis_index("c")
    s = lax.axis_index("s")

    @pl.loop(0, (64 * HHID) // 16)
    def _zero(i):
        r = i // jnp.int32(HHID // 16)
        k = (i % jnp.int32(HHID // 16)) * jnp.int32(16)
        zbuf[r, pl.ds(k, 16)] = jnp.zeros((16,), jnp.float32)

    @pl.loop(0, NPT // 64)
    def _zero_sh(i):
        pltpu.sync_copy(zbuf, p_sh.at[pl.ds(s * jnp.int32(NPT) + i * jnp.int32(64), 64)])

    plsc.subcore_barrier()

    def scale(G, j):
        @pl.loop(0, CH // 16)
        def _grp(r16):
            wvec = wblk[pl.ds(j * jnp.int32(CH) + r16 * jnp.int32(16), 16)]
            rbase = r16 * jnp.int32(16)
            for l in range(16):
                wb = jnp.take_along_axis(
                    wvec, jnp.full((16,), l, jnp.int32), axis=0)
                r = rbase + jnp.int32(l)
                a = G[r, pl.ds(0, 16)] * wb
                b = G[r, pl.ds(16, 16)] * wb
                G[r, pl.ds(0, 16)] = a
                G[r, pl.ds(16, 16)] = b

    def run(g_hbm):
        def gcopy(G, sem, j):
            return pltpu.make_async_copy(g_hbm.at[rowv.at[j]], G, sem)

        def scopy(G, sem, j):
            return pltpu.make_async_copy(G, p_sh.at[colv.at[j]], sem)

        @pl.loop(0, ROWS_C // ROWS_B)
        def _blk(b):
            base = (s * jnp.int32(ROWS_C) + b * jnp.int32(ROWS_B))
            pltpu.sync_copy(row_hbm.at[pl.ds(base, ROWS_B)], rowv)
            pltpu.sync_copy(col_hbm.at[pl.ds(base, ROWS_B)], colv)
            pltpu.sync_copy(w_hbm.at[pl.ds(base * jnp.int32(CH), ROWS_B * CH)],
                            wblk)
            gcopy(G0, sem0, jnp.int32(0)).start()

            @pl.loop(0, ROWS_B // 2)
            def _main(jj):
                j0 = jj * jnp.int32(2)
                gcopy(G0, sem0, j0).wait()

                @pl.when(jj > 0)
                def _free_g1():
                    scopy(G1, ssem1, j0).wait()

                gcopy(G1, sem1, j0 + 1).start()
                pass
                scopy(G0, ssem0, j0).start(add=True)
                gcopy(G1, sem1, j0 + 1).wait()

                @pl.when(jj < ROWS_B // 2 - 1)
                def _next():
                    scopy(G0, ssem0, j0).wait()
                    gcopy(G0, sem0, j0 + 2).start()

                pass
                scopy(G1, ssem1, j0 + 1).start(add=True)

            scopy(G0, ssem0, jnp.int32(0)).wait()
            scopy(G1, ssem1, jnp.int32(0)).wait()

    @pl.when(c == 0)
    def _c0():
        run(g0_hbm)

    @pl.when(c == 1)
    def _c1():
        run(g1_hbm)

    plsc.subcore_barrier()

    @pl.when(c == 0)
    def _w0():
        pltpu.sync_copy(p_sh.at[pl.ds(s * jnp.int32(NPT), NPT)],
                        p0_hbm.at[pl.ds(s * jnp.int32(NPT), NPT)])

    @pl.when(c == 1)
    def _w1():
        pltpu.sync_copy(p_sh.at[pl.ds(s * jnp.int32(NPT), NPT)],
                        p1_hbm.at[pl.ds(s * jnp.int32(NPT), NPT)])


_NB = 2048
_GB = _NB // NPG


def _prep_body(x_ref, wg_ref, part_ref, g0_ref, g1_ref, dinv_ref):
    h = jnp.dot(x_ref[...], wg_ref[...], preferred_element_type=jnp.float32)
    deg = 1.0 + part_ref[0, :] + part_ref[1, :]
    dinv = jnp.where(deg > 0, lax.rsqrt(jnp.maximum(deg, 1e-12)), 0.0)
    g = h * dinv[:, None]
    g0_ref[...] = g[:, :HHID]
    g1_ref[...] = g[:, HHID:]
    dinv_ref[...] = dinv


def _head_body(p0_ref, p1_ref, g0_ref, g1_ref, dinv_ref, bg_ref,
               w1_ref, b1_ref, w2_ref, b2_ref, w3_ref, b3_ref, o_ref):
    p = jnp.concatenate([p0_ref[...], p1_ref[...]], axis=1)
    g = jnp.concatenate([g0_ref[...], g1_ref[...]], axis=1)
    agg = dinv_ref[...][:, None] * (p + g) + bg_ref[...][None, :]
    a3 = agg.reshape(_GB, NPG, HID)
    acc = jnp.zeros((_GB, HID), jnp.float32)
    for j in range(NPG):
        acc = acc + jnp.dot(a3[:, j, :], w1_ref[j],
                            preferred_element_type=jnp.float32)
    z1 = jnp.maximum(acc + b1_ref[...][None, :], 0.0)
    z2 = jnp.dot(z1, w2_ref[...], preferred_element_type=jnp.float32)
    z2 = jnp.maximum(z2 + b2_ref[...][None, :], 0.0)
    z3 = jnp.dot(z2, w3_ref[...], preferred_element_type=jnp.float32)
    z3 = z3 + b3_ref[...][None, :]
    m = jnp.max(z3, axis=-1, keepdims=True)
    e = jnp.exp(z3 - m)
    o_ref[...] = e / jnp.sum(e, axis=-1, keepdims=True)


def _prep(x, Wg, partials):
    return pl.pallas_call(
        _prep_body,
        grid=(N // _NB,),
        in_specs=[pl.BlockSpec((_NB, IN_CH), lambda i: (i, 0)),
                  pl.BlockSpec((IN_CH, HID), lambda i: (0, 0)),
                  pl.BlockSpec((NCORE, _NB), lambda i: (0, i))],
        out_specs=[pl.BlockSpec((_NB, HHID), lambda i: (i, 0)),
                   pl.BlockSpec((_NB, HHID), lambda i: (i, 0)),
                   pl.BlockSpec((_NB,), lambda i: (i,))],
        out_shape=[jax.ShapeDtypeStruct((N, HHID), jnp.float32),
                   jax.ShapeDtypeStruct((N, HHID), jnp.float32),
                   jax.ShapeDtypeStruct((N,), jnp.float32)],
    )(x, Wg, partials)


def _head(p0, p1, g0, g1, dinv, bg, W1r, b1, W2, b2, W3, b3):
    return pl.pallas_call(
        _head_body,
        grid=(N // _NB,),
        in_specs=[pl.BlockSpec((_NB, HHID), lambda i: (i, 0)),
                  pl.BlockSpec((_NB, HHID), lambda i: (i, 0)),
                  pl.BlockSpec((_NB, HHID), lambda i: (i, 0)),
                  pl.BlockSpec((_NB, HHID), lambda i: (i, 0)),
                  pl.BlockSpec((_NB,), lambda i: (i,)),
                  pl.BlockSpec((HID,), lambda i: (0,)),
                  pl.BlockSpec((NPG, HID, HID), lambda i: (0, 0, 0)),
                  pl.BlockSpec((HID,), lambda i: (0,)),
                  pl.BlockSpec((HID, HHID), lambda i: (0, 0)),
                  pl.BlockSpec((HHID,), lambda i: (0,)),
                  pl.BlockSpec((HHID, NC), lambda i: (0, 0)),
                  pl.BlockSpec((NC,), lambda i: (0,))],
        out_specs=pl.BlockSpec((_GB, NC), lambda i: (i, 0)),
        out_shape=jax.ShapeDtypeStruct((BS, NC), jnp.float32),
    )(p0, p1, g0, g1, dinv, bg, W1r, b1, W2, b2, W3, b3)


def kernel(x, edge_index, edge_attr, batch, Wg, bg, W1, b1, W2, b2, W3, b3):
    del batch
    with jax.enable_x64(False):
        x = x.astype(jnp.float32)
        ei = edge_index.astype(jnp.int32)
        row2d = ei[0].reshape(E // CH, CH)
        col2d = ei[1].reshape(E // CH, CH)
        w = edge_attr.astype(jnp.float32)
        w2d = w.reshape(E // CH, CH)
        W1r = W1.reshape(NPG, HID, HID)

        partials = _deg_partials(col2d, w2d)
        g0, g1, dinv = _prep(x, Wg, partials)
        p0, p1 = _edge_scatter(row2d, col2d, w, g0, g1)
        return _head(p0, p1, g0, g1, dinv, bg, W1r, b1, W2, b2, W3, b3)

# --- scband reference (transcript-rebuilt; emitter-appended) ---
"""Pipeline reference for scband-gcnmlp-32057635897406 (READ-ONLY COPY).

The authoritative reference and input builder live on the scoring server;
editing this copy changes nothing except your own understanding.
"""

import jax, jax.numpy as jnp
import numpy as np
jax.config.update("jax_enable_x64", True)

N = 32768
E = 524288
BS = 1024
NODES_PER_GRAPH = 32
IN_CH = 128
HID = 64
NC = 10


def setup_inputs(seed: int = 0):
    key = jax.random.key(seed)
    ks = jax.random.split(key, 8)
    x = jax.random.normal(ks[0], (N, IN_CH), dtype=jnp.float32)
    edge_index = jax.random.randint(ks[1], (2, E), 0, N, dtype=jnp.int64)
    edge_attr = jax.random.uniform(ks[2], (E,), dtype=jnp.float32)
    batch = jnp.repeat(jnp.arange(BS, dtype=jnp.int64), NODES_PER_GRAPH)

    def lin(k, fi, fo):
        s = 1.0 / np.sqrt(fi)
        kw, kb = jax.random.split(k)
        W = jax.random.uniform(kw, (fi, fo), minval=-s, maxval=s, dtype=jnp.float32)
        b = jax.random.uniform(kb, (fo,), minval=-s, maxval=s, dtype=jnp.float32)
        return W, b

    Wg, bg = lin(ks[3], IN_CH, HID)
    W1, b1 = lin(ks[4], NODES_PER_GRAPH * HID, HID)
    W2, b2 = lin(ks[5], HID, HID // 2)
    W3, b3 = lin(ks[6], HID // 2, NC)
    return {"x": x, "edge_index": edge_index, "edge_attr": edge_attr, "batch": batch,
            "Wg": Wg, "bg": bg, "W1": W1, "b1": b1, "W2": W2, "b2": b2, "W3": W3, "b3": b3}


def reference(x, edge_index, edge_attr, batch, Wg, bg, W1, b1, W2, b2, W3, b3):
    # GCNConv with edge_weight (PyG semantics): add self-loops (weight 1), symmetric norm
    row = edge_index[0]
    col = edge_index[1]
    loop = jnp.arange(N, dtype=edge_index.dtype)
    row = jnp.concatenate([row, loop])
    col = jnp.concatenate([col, loop])
    w = jnp.concatenate([edge_attr, jnp.ones((N,), dtype=edge_attr.dtype)])
    deg = jnp.zeros((N,), dtype=jnp.float32).at[col].add(w)
    dinv = jnp.where(deg > 0, jax.lax.rsqrt(jnp.maximum(deg, 1e-12)), 0.0)
    norm = dinv[row] * w * dinv[col]
    h = x @ Wg
    msg = h[row] * norm[:, None]
    agg = jnp.zeros((N, HID), dtype=jnp.float32).at[col].add(msg)
    h = agg + bg
    # rearrange '(bs e) f -> bs (e f)' with bs = number of unique graph ids (1024, static)
    h = h.reshape(BS, NODES_PER_GRAPH * HID)
    h = jax.nn.relu(h @ W1 + b1)
    # dropout is a no-op in eval mode
    h = jax.nn.relu(h @ W2 + b2)
    h = h @ W3 + b3
    return jax.nn.softmax(h, axis=-1)

if __name__ == "__main__":
    import jax
    _d = setup_inputs()
    print(jax.jit(kernel)(*tuple(_d.values())))

</pallas_src>

<mosaic_0001>
#map = affine_map<(d0, d1) -> (0, 0)>
#map1 = affine_map<(d0, d1) -> (0)>
module attributes {stable_mosaic.version = 14 : i64} {
  func.func @_edge_scatter(%arg0: i32, %arg1: i32, %arg2: memref<4096x128xi32, #tpu.memory_space<hbm>>, %arg3: memref<4096x128xi32, #tpu.memory_space<hbm>>, %arg4: memref<524288xf32, #tpu.memory_space<hbm>>, %arg5: memref<32768x32xf32, #tpu.memory_space<hbm>>, %arg6: memref<32768x32xf32, #tpu.memory_space<hbm>>, %arg7: memref<32768x32xf32, #tpu.memory_space<hbm>>, %arg8: memref<32768x32xf32, #tpu.memory_space<hbm>>, %arg9: memref<64x128xi32, #tpu.memory_space<vmem>>, %arg10: memref<64x128xi32, #tpu.memory_space<vmem>>, %arg11: memref<8192xf32, #tpu.memory_space<vmem>>, %arg12: memref<128x32xf32, #tpu.memory_space<vmem>>, %arg13: memref<128x32xf32, #tpu.memory_space<vmem>>, %arg14: memref<64x32xf32, #tpu.memory_space<vmem>>, %arg15: memref<32768x32xf32, #tpu.memory_space<vmem_shared>>, %arg16: memref<!tpu.dma_semaphore, #tpu.memory_space<semaphore_mem>>, %arg17: memref<!tpu.dma_semaphore, #tpu.memory_space<semaphore_mem>>, %arg18: memref<!tpu.dma_semaphore, #tpu.memory_space<semaphore_mem>>, %arg19: memref<!tpu.dma_semaphore, #tpu.memory_space<semaphore_mem>>) attributes {dimension_semantics = [#tpu.dimension_semantics<core_parallel>, #tpu.dimension_semantics<subcore_parallel>], iteration_bounds = array<i64: 2, 16>, scalar_prefetch = 0 : i64, scratch_operands = 11 : i64, tpu.core_type = #tpu.core_type<sc_vector_subcore>, window_params = [{transform_indices = #map}, {transform_indices = #map}, {transform_indices = #map1}, {transform_indices = #map}, {transform_indices = #map}, {transform_indices = #map}, {transform_indices = #map}]} {
    %scan3A = arith.constant 0 : i32
    %scan3A_0 = arith.constant 128 : i32
    %scan3A_1 = arith.addi %scan3A, %scan3A_0 : i32
    %scan3A_2 = arith.constant 1 : i32
    scf.for %scan3A_27 = %scan3A to %scan3A_1 step %scan3A_2  : i32 {
      %mul3A = arith.constant 1 : i32
      %mul3A_28 = arith.muli %scan3A_27, %mul3A : i32
      %add3A = arith.constant 0 : i32
      %add3A_29 = arith.addi %add3A, %mul3A_28 : i32
      %jit3A = arith.constant 2 : i32
      %div3A = arith.divsi %add3A_29, %jit3A : i32
      %sign3A = arith.constant 0 : i32
      %sign3A_30 = arith.cmpi sgt, %add3A_29, %sign3A : i32
      %sign3A_31 = arith.extui %sign3A_30 : i1 to i32
      %sign3A_32 = arith.constant 0 : i32
      %sign3A_33 = arith.cmpi slt, %add3A_29, %sign3A_32 : i32
      %sign3A_34 = arith.extui %sign3A_33 : i1 to i32
      %sign3A_35 = arith.subi %sign3A_31, %sign3A_34 : i32
      %sign3A_36 = arith.constant 0 : i32
      %sign3A_37 = arith.cmpi sgt, %jit3A, %sign3A_36 : i32
      %sign3A_38 = arith.extui %sign3A_37 : i1 to i32
      %sign3A_39 = arith.constant 0 : i32
      %sign3A_40 = arith.cmpi slt, %jit3A, %sign3A_39 : i32
      %sign3A_41 = arith.extui %sign3A_40 : i1 to i32
      %sign3A_42 = arith.subi %sign3A_38, %sign3A_41 : i32
      %ne3A = arith.cmpi ne, %sign3A_35, %sign3A_42 : i32
      %rem3A = arith.remsi %add3A_29, %jit3A : i32
      %ne3A_43 = arith.constant 0 : i32
      %ne3A_44 = arith.cmpi ne, %rem3A, %ne3A_43 : i32
      %and3A = arith.andi %ne3A, %ne3A_44 : i1
      %sub3A = arith.constant 1 : i32
      %sub3A_45 = arith.subi %div3A, %sub3A : i32
      %select_n3A = arith.select %and3A, %sub3A_45, %div3A : i32
      %jit3A_46 = arith.constant 2 : i32
      %eq3A_47 = arith.constant 0 : i32
      %eq3A_48 = arith.cmpi eq, %jit3A_46, %eq3A_47 : i32
      %jit3A_49 = arith.constant 1 : i32
      %select_n3A_50 = arith.select %eq3A_48, %jit3A_49, %jit3A_46 : i32
      %rem3A_51 = arith.remsi %add3A_29, %select_n3A_50 : i32
      %ne3A_52 = arith.constant 0 : i32
      %ne3A_53 = arith.cmpi ne, %rem3A_51, %ne3A_52 : i32
      %lt3A = arith.constant 0 : i32
      %lt3A_54 = arith.cmpi slt, %rem3A_51, %lt3A : i32
      %lt3A_55 = arith.constant 0 : i32
      %lt3A_56 = arith.cmpi slt, %select_n3A_50, %lt3A_55 : i32
      %ne3A_57 = arith.xori %lt3A_54, %lt3A_56 : i1
      %and3A_58 = arith.andi %ne3A_57, %ne3A_53 : i1
      %add3A_59 = arith.addi %rem3A_51, %select_n3A_50 : i32
      %select_n3A_60 = arith.select %and3A_58, %add3A_59, %rem3A_51 : i32
      %mul3A_61 = arith.constant 16 : i32
      %mul3A_62 = arith.muli %select_n3A_60, %mul3A_61 : i32
      %broadcast_in_dim3A = arith.constant 0.000000e+00 : f32
      %broadcast_in_dim3A_63 = vector.broadcast %broadcast_in_dim3A : f32 to vector<16xf32>
      %swap3A = arith.index_cast %select_n3A : i32 to index
      %swap3A_64 = arith.index_cast %mul3A_62 : i32 to index
      %swap3A_65 = tpu.vector_load %arg14[%swap3A, %swap3A_64] {strides = array<i32>} : memref<64x32xf32, #tpu.memory_space<vmem>>, vector<16xf32>,
      tpu.vector_store %arg14[%swap3A, %swap3A_64], %broadcast_in_dim3A_63 {strides = array<i32>} : memref<64x32xf32, #tpu.memory_space<vmem>>, vector<16xf32>,
    }
    %scan3A_3 = arith.constant 128 : i32
    %scan3A_4 = arith.constant 0 : i32
    %scan3A_5 = arith.constant 32 : i32
    %scan3A_6 = arith.addi %scan3A_4, %scan3A_5 : i32
    %scan3A_7 = arith.constant 1 : i32
    scf.for %scan3A_27 = %scan3A_4 to %scan3A_6 step %scan3A_7  : i32 {
      %mul3A = arith.constant 1 : i32
      %mul3A_28 = arith.muli %scan3A_27, %mul3A : i32
      %add3A = arith.constant 0 : i32
      %add3A_29 = arith.addi %add3A, %mul3A_28 : i32
      %mul3A_30 = arith.constant 2048 : i32
      %mul3A_31 = arith.muli %arg1, %mul3A_30 : i32
      %mul3A_32 = arith.constant 64 : i32
      %mul3A_33 = arith.muli %add3A_29, %mul3A_32 : i32
      %add3A_34 = arith.addi %mul3A_31, %mul3A_33 : i32
      "tpu.region"() ({
        %run_scoped3A = tpu.sem_alloc : memref<!tpu.dma_semaphore, #tpu.memory_space<semaphore_mem>>
        %dma_start3A = arith.constant 0 : i32
        %dma_start3A_35 = tpu.memref_slice %arg15[%add3A_34, %dma_start3A] : memref<32768x32xf32, #tpu.memory_space<vmem_shared>> -> memref<64x32xf32, #tpu.memory_space<vmem_shared>>
        %dma_start3A_36 = arith.constant 0 : i32
        %dma_start3A_37 = tpu.memref_slice %arg15[%add3A_34, %dma_start3A_36] : memref<32768x32xf32, #tpu.memory_space<vmem_shared>> -> memref<64x32xf32, #tpu.memory_space<vmem_shared>>
        tpu.enqueue_dma source(%arg14 : memref<64x32xf32, #tpu.memory_space<vmem>>) target(%dma_start3A_37 : memref<64x32xf32, #tpu.memory_space<vmem_shared>>) target_semaphore(%run_scoped3A : memref<!tpu.dma_semaphore, #tpu.memory_space<semaphore_mem>>)
        %dma_wait3A = arith.constant 0 : i32
        %dma_wait3A_38 = tpu.memref_slice %arg15[%add3A_34, %dma_wait3A] : memref<32768x32xf32, #tpu.memory_space<vmem_shared>> -> memref<64x32xf32, #tpu.memory_space<vmem_shared>>
        %dma_wait3A_39 = arith.constant 0 : i32
        %dma_wait3A_40 = tpu.memref_slice %arg15[%add3A_34, %dma_wait3A_39] : memref<32768x32xf32, #tpu.memory_space<vmem_shared>> -> memref<64x32xf32, #tpu.memory_space<vmem_shared>>
        tpu.wait_dma2 semaphore(%run_scoped3A : memref<!tpu.dma_semaphore, #tpu.memory_space<semaphore_mem>>) src(%arg14 : memref<64x32xf32, #tpu.memory_space<vmem>>) dst(%dma_wait3A_40 : memref<64x32xf32, #tpu.memory_space<vmem_shared>>)
        tpu.yield
      }) : () -> ()
    }
    %scan3A_8 = arith.constant 32 : i32
    %barrier3A = arith.constant 0 : index
    tpu.barrier barrier_id(%barrier3A)
    %eq3A = arith.constant 0 : i32
    %eq3A_9 = arith.cmpi eq, %arg0, %eq3A : i32
    %convert_element_type3A = arith.extui %eq3A_9 : i1 to i32
    %cond3A = arith.constant 0 : i32
    %cond3A_10 = arith.cmpi ne, %convert_element_type3A, %cond3A : i32
    scf.if %cond3A_10 {
      %scan3A_27 = arith.constant 0 : i32
      %scan3A_28 = arith.constant 4 : i32
      %scan3A_29 = arith.addi %scan3A_27, %scan3A_28 : i32
      %scan3A_30 = arith.constant 1 : i32
      scf.for %scan3A_32 = %scan3A_27 to %scan3A_29 step %scan3A_30  : i32 {
        %mul3A = arith.constant 1 : i32
        %mul3A_33 = arith.muli %scan3A_32, %mul3A : i32
        %add3A = arith.constant 0 : i32
        %add3A_34 = arith.addi %add3A, %mul3A_33 : i32
        %mul3A_35 = arith.constant 256 : i32
        %mul3A_36 = arith.muli %arg1, %mul3A_35 : i32
        %mul3A_37 = arith.constant 64 : i32
        %mul3A_38 = arith.muli %add3A_34, %mul3A_37 : i32
        %add3A_39 = arith.addi %mul3A_36, %mul3A_38 : i32
        "tpu.region"() ({
          %run_scoped3A = tpu.sem_alloc : memref<!tpu.dma_semaphore, #tpu.memory_space<semaphore_mem>>
          %dma_start3A_66 = arith.constant 0 : i32
          %dma_start3A_67 = tpu.memref_slice %arg2[%add3A_39, %dma_start3A_66] : memref<4096x128xi32, #tpu.memory_space<hbm>> -> memref<64x128xi32, #tpu.memory_space<hbm>>
          %dma_start3A_68 = arith.constant 0 : i32
          %dma_start3A_69 = tpu.memref_slice %arg2[%add3A_39, %dma_start3A_68] : memref<4096x128xi32, #tpu.memory_space<hbm>> -> memref<64x128xi32, #tpu.memory_space<hbm>>
          tpu.enqueue_dma source(%dma_start3A_69 : memref<64x128xi32, #tpu.memory_space<hbm>>) target(%arg9 : memref<64x128xi32, #tpu.memory_space<vmem>>) target_semaphore(%run_scoped3A : memref<!tpu.dma_semaphore, #tpu.memory_space<semaphore_mem>>)
          %dma_wait3A_70 = arith.constant 0 : i32
          %dma_wait3A_71 = tpu.memref_slice %arg2[%add3A_39, %dma_wait3A_70] : memref<4096x128xi32, #tpu.memory_space<hbm>> -> memref<64x128xi32, #tpu.memory_space<hbm>>
          %dma_wait3A_72 = arith.constant 0 : i32
          %dma_wait3A_73 = tpu.memref_slice %arg2[%add3A_39, %dma_wait3A_72] : memref<4096x128xi32, #tpu.memory_space<hbm>> -> memref<64x128xi32, #tpu.memory_space<hbm>>
          tpu.wait_dma2 semaphore(%run_scoped3A : memref<!tpu.dma_semaphore, #tpu.memory_space<semaphore_mem>>) src(%dma_wait3A_73 : memref<64x128xi32, #tpu.memory_space<hbm>>) dst(%arg9 : memref<64x128xi32, #tpu.memory_space<vmem>>)
          tpu.yield
        }) : () -> ()
        "tpu.region"() ({
          %run_scoped3A = tpu.sem_alloc : memref<!tpu.dma_semaphore, #tpu.memory_space<semaphore_mem>>
          %dma_start3A_66 = arith.constant 0 : i32
          %dma_start3A_67 = tpu.memref_slice %arg3[%add3A_39, %dma_start3A_66] : memref<4096x128xi32, #tpu.memory_space<hbm>> -> memref<64x128xi32, #tpu.memory_space<hbm>>
          %dma_start3A_68 = arith.constant 0 : i32
          %dma_start3A_69 = tpu.memref_slice %arg3[%add3A_39, %dma_start3A_68] : memref<4096x128xi32, #tpu.memory_space<hbm>> -> memref<64x128xi32, #tpu.memory_space<hbm>>
          tpu.enqueue_dma source(%dma_start3A_69 : memref<64x128xi32, #tpu.memory_space<hbm>>) target(%arg10 : memref<64x128xi32, #tpu.memory_space<vmem>>) target_semaphore(%run_scoped3A : memref<!tpu.dma_semaphore, #tpu.memory_space<semaphore_mem>>)
          %dma_wait3A_70 = arith.constant 0 : i32
          %dma_wait3A_71 = tpu.memref_slice %arg3[%add3A_39, %dma_wait3A_70] : memref<4096x128xi32, #tpu.memory_space<hbm>> -> memref<64x128xi32, #tpu.memory_space<hbm>>
          %dma_wait3A_72 = arith.constant 0 : i32
          %dma_wait3A_73 = tpu.memref_slice %arg3[%add3A_39, %dma_wait3A_72] : memref<4096x128xi32, #tpu.memory_space<hbm>> -> memref<64x128xi32, #tpu.memory_space<hbm>>
          tpu.wait_dma2 semaphore(%run_scoped3A : memref<!tpu.dma_semaphore, #tpu.memory_space<semaphore_mem>>) src(%dma_wait3A_73 : memref<64x128xi32, #tpu.memory_space<hbm>>) dst(%arg10 : memref<64x128xi32, #tpu.memory_space<vmem>>)
          tpu.yield
        }) : () -> ()
        %mul3A_40 = arith.constant 128 : i32
        %mul3A_41 = arith.muli %add3A_39, %mul3A_40 : i32
        "tpu.region"() ({
          %run_scoped3A = tpu.sem_alloc : memref<!tpu.dma_semaphore, #tpu.memory_space<semaphore_mem>>
          %dma_start3A_66 = tpu.memref_slice %arg4[%mul3A_41] : memref<524288xf32, #tpu.memory_space<hbm>> -> memref<8192xf32, #tpu.memory_space<hbm>>
          %dma_start3A_67 = tpu.memref_slice %arg4[%mul3A_41] : memref<524288xf32, #tpu.memory_space<hbm>> -> memref<8192xf32, #tpu.memory_space<hbm>>
          tpu.enqueue_dma source(%dma_start3A_67 : memref<8192xf32, #tpu.memory_space<hbm>>) target(%arg11 : memref<8192xf32, #tpu.memory_space<vmem>>) target_semaphore(%run_scoped3A : memref<!tpu.dma_semaphore, #tpu.memory_space<semaphore_mem>>)
          %dma_wait3A_68 = tpu.memref_slice %arg4[%mul3A_41] : memref<524288xf32, #tpu.memory_space<hbm>> -> memref<8192xf32, #tpu.memory_space<hbm>>
          %dma_wait3A_69 = tpu.memref_slice %arg4[%mul3A_41] : memref<524288xf32, #tpu.memory_space<hbm>> -> memref<8192xf32, #tpu.memory_space<hbm>>
          tpu.wait_dma2 semaphore(%run_scoped3A : memref<!tpu.dma_semaphore, #tpu.memory_space<semaphore_mem>>) src(%dma_wait3A_69 : memref<8192xf32, #tpu.memory_space<hbm>>) dst(%arg11 : memref<8192xf32, #tpu.memory_space<vmem>>)
          tpu.yield
        }) : () -> ()
        %dma_start3A = arith.constant 0 : i32
        %dma_start3A_42 = arith.constant 0 : i32
        %dma_start3A_43 = tpu.memref_slice %arg9[%dma_start3A, %dma_start3A_42] : memref<64x128xi32, #tpu.memory_space<vmem>> -> memref<1x128xi32, #tpu.memory_space<vmem>>
        %dma_start3A_44 = tpu.memref_squeeze %dma_start3A_43 : memref<1x128xi32, #tpu.memory_space<vmem>> -> memref<128xi32, #tpu.memory_space<vmem>>
        %dma_start3A_45 = arith.constant 0 : i32
        %dma_start3A_46 = arith.constant 0 : i32
        %dma_start3A_47 = tpu.memref_slice %arg5[%dma_start3A_45, %dma_start3A_46] : memref<32768x32xf32, #tpu.memory_space<hbm>> -> memref<32768x32xf32, #tpu.memory_space<hbm>>
        tpu.enqueue_indirect_dma source(%dma_start3A_47 : memref<32768x32xf32, #tpu.memory_space<hbm>>) target(%arg12 : memref<128x32xf32, #tpu.memory_space<vmem>>) offsets(%dma_start3A_44 : memref<128xi32, #tpu.memory_space<vmem>>) semaphore(%arg16 : memref<!tpu.dma_semaphore, #tpu.memory_space<semaphore_mem>>)
        %scan3A_48 = arith.constant 0 : i32
        %scan3A_49 = arith.constant 32 : i32
        %scan3A_50 = arith.addi %scan3A_48, %scan3A_49 : i32
        %scan3A_51 = arith.constant 1 : i32
        scf.for %scan3A_66 = %scan3A_48 to %scan3A_50 step %scan3A_51  : i32 {
          %mul3A_67 = arith.constant 1 : i32
          %mul3A_68 = arith.muli %scan3A_66, %mul3A_67 : i32
          %add3A_69 = arith.constant 0 : i32
          %add3A_70 = arith.addi %add3A_69, %mul3A_68 : i32
          %mul3A_71 = arith.constant 2 : i32
          %mul3A_72 = arith.muli %add3A_70, %mul3A_71 : i32
          %dma_wait3A_73 = arith.constant 0 : i32
          %dma_wait3A_74 = tpu.memref_slice %arg9[%mul3A_72, %dma_wait3A_73] : memref<64x128xi32, #tpu.memory_space<vmem>> -> memref<1x128xi32, #tpu.memory_space<vmem>>
          %dma_wait3A_75 = tpu.memref_squeeze %dma_wait3A_74 : memref<1x128xi32, #tpu.memory_space<vmem>> -> memref<128xi32, #tpu.memory_space<vmem>>
          %dma_wait3A_76 = arith.constant 0 : i32
          %dma_wait3A_77 = arith.constant 0 : i32
          %dma_wait3A_78 = tpu.memref_slice %arg5[%dma_wait3A_76, %dma_wait3A_77] : memref<32768x32xf32, #tpu.memory_space<hbm>> -> memref<32768x32xf32, #tpu.memory_space<hbm>>
          tpu.wait_indirect_dma semaphore(%arg16 : memref<!tpu.dma_semaphore, #tpu.memory_space<semaphore_mem>>) src(%dma_wait3A_78 : memref<32768x32xf32, #tpu.memory_space<hbm>>) dst(%arg12 : memref<128x32xf32, #tpu.memory_space<vmem>>)
          %gt3A = arith.constant 0 : i32
          %gt3A_79 = arith.cmpi sgt, %add3A_70, %gt3A : i32
          %convert_element_type3A_80 = arith.extui %gt3A_79 : i1 to i32
          %cond3A_81 = arith.constant 0 : i32
          %cond3A_82 = arith.cmpi ne, %convert_element_type3A_80, %cond3A_81 : i32
          scf.if %cond3A_82 {
            %dma_wait3A_117 = arith.constant 0 : i32
            %dma_wait3A_118 = tpu.memref_slice %arg10[%mul3A_72, %dma_wait3A_117] : memref<64x128xi32, #tpu.memory_space<vmem>> -> memref<1x128xi32, #tpu.memory_space<vmem>>
            %dma_wait3A_119 = tpu.memref_squeeze %dma_wait3A_118 : memref<1x128xi32, #tpu.memory_space<vmem>> -> memref<128xi32, #tpu.memory_space<vmem>>
            %dma_wait3A_120 = arith.constant 0 : i32
            %dma_wait3A_121 = arith.constant 0 : i32
            %dma_wait3A_122 = tpu.memref_slice %arg15[%dma_wait3A_120, %dma_wait3A_121] : memref<32768x32xf32, #tpu.memory_space<vmem_shared>> -> memref<32768x32xf32, #tpu.memory_space<vmem_shared>>
            tpu.wait_indirect_dma semaphore(%arg19 : memref<!tpu.dma_semaphore, #tpu.memory_space<semaphore_mem>>) src(%arg13 : memref<128x32xf32, #tpu.memory_space<vmem>>) dst(%dma_wait3A_122 : memref<32768x32xf32, #tpu.memory_space<vmem_shared>>)
          } else {
          }
          %add3A_83 = arith.constant 1 : i32
          %add3A_84 = arith.addi %mul3A_72, %add3A_83 : i32
          %dma_start3A_85 = arith.constant 0 : i32
          %dma_start3A_86 = tpu.memref_slice %arg9[%add3A_84, %dma_start3A_85] : memref<64x128xi32, #tpu.memory_space<vmem>> -> memref<1x128xi32, #tpu.memory_space<vmem>>
          %dma_start3A_87 = tpu.memref_squeeze %dma_start3A_86 : memref<1x128xi32, #tpu.memory_space<vmem>> -> memref<128xi32, #tpu.memory_space<vmem>>
          %dma_start3A_88 = arith.constant 0 : i32
          %dma_start3A_89 = arith.constant 0 : i32
          %dma_start3A_90 = tpu.memref_slice %arg5[%dma_start3A_88, %dma_start3A_89] : memref<32768x32xf32, #tpu.memory_space<hbm>> -> memref<32768x32xf32, #tpu.memory_space<hbm>>
          tpu.enqueue_indirect_dma source(%dma_start3A_90 : memref<32768x32xf32, #tpu.memory_space<hbm>>) target(%arg13 : memref<128x32xf32, #tpu.memory_space<vmem>>) offsets(%dma_start3A_87 : memref<128xi32, #tpu.memory_space<vmem>>) semaphore(%arg17 : memref<!tpu.dma_semaphore, #tpu.memory_space<semaphore_mem>>)
          %dma_start3A_91 = arith.constant 0 : i32
          %dma_start3A_92 = tpu.memref_slice %arg10[%mul3A_72, %dma_start3A_91] : memref<64x128xi32, #tpu.memory_space<vmem>> -> memref<1x128xi32, #tpu.memory_space<vmem>>
          %dma_start3A_93 = tpu.memref_squeeze %dma_start3A_92 : memref<1x128xi32, #tpu.memory_space<vmem>> -> memref<128xi32, #tpu.memory_space<vmem>>
          %dma_start3A_94 = arith.constant 0 : i32
          %dma_start3A_95 = arith.constant 0 : i32
          %dma_start3A_96 = tpu.memref_slice %arg15[%dma_start3A_94, %dma_start3A_95] : memref<32768x32xf32, #tpu.memory_space<vmem_shared>> -> memref<32768x32xf32, #tpu.memory_space<vmem_shared>>
          tpu.enqueue_indirect_dma source(%arg12 : memref<128x32xf32, #tpu.memory_space<vmem>>) target(%dma_start3A_96 : memref<32768x32xf32, #tpu.memory_space<vmem_shared>>) offsets(%dma_start3A_93 : memref<128xi32, #tpu.memory_space<vmem>>) semaphore(%arg18 : memref<!tpu.dma_semaphore, #tpu.memory_space<semaphore_mem>>) {add = true}
          %add3A_97 = arith.constant 1 : i32
          %add3A_98 = arith.addi %mul3A_72, %add3A_97 : i32
          %dma_wait3A_99 = arith.constant 0 : i32
          %dma_wait3A_100 = tpu.memref_slice %arg9[%add3A_98, %dma_wait3A_99] : memref<64x128xi32, #tpu.memory_space<vmem>> -> memref<1x128xi32, #tpu.memory_space<vmem>>
          %dma_wait3A_101 = tpu.memref_squeeze %dma_wait3A_100 : memref<1x128xi32, #tpu.memory_space<vmem>> -> memref<128xi32, #tpu.memory_space<vmem>>
          %dma_wait3A_102 = arith.constant 0 : i32
          %dma_wait3A_103 = arith.constant 0 : i32
          %dma_wait3A_104 = tpu.memref_slice %arg5[%dma_wait3A_102, %dma_wait3A_103] : memref<32768x32xf32, #tpu.memory_space<hbm>> -> memref<32768x32xf32, #tpu.memory_space<hbm>>
          tpu.wait_indirect_dma semaphore(%arg17 : memref<!tpu.dma_semaphore, #tpu.memory_space<semaphore_mem>>) src(%dma_wait3A_104 : memref<32768x32xf32, #tpu.memory_space<hbm>>) dst(%arg13 : memref<128x32xf32, #tpu.memory_space<vmem>>)
          %lt3A = arith.constant 31 : i32
          %lt3A_105 = arith.cmpi slt, %add3A_70, %lt3A : i32
          %convert_element_type3A_106 = arith.extui %lt3A_105 : i1 to i32
          %cond3A_107 = arith.constant 0 : i32
          %cond3A_108 = arith.cmpi ne, %convert_element_type3A_106, %cond3A_107 : i32
          scf.if %cond3A_108 {
            %dma_wait3A_117 = arith.constant 0 : i32
            %dma_wait3A_118 = tpu.memref_slice %arg10[%mul3A_72, %dma_wait3A_117] : memref<64x128xi32, #tpu.memory_space<vmem>> -> memref<1x128xi32, #tpu.memory_space<vmem>>
            %dma_wait3A_119 = tpu.memref_squeeze %dma_wait3A_118 : memref<1x128xi32, #tpu.memory_space<vmem>> -> memref<128xi32, #tpu.memory_space<vmem>>
            %dma_wait3A_120 = arith.constant 0 : i32
            %dma_wait3A_121 = arith.constant 0 : i32
            %dma_wait3A_122 = tpu.memref_slice %arg15[%dma_wait3A_120, %dma_wait3A_121] : memref<32768x32xf32, #tpu.memory_space<vmem_shared>> -> memref<32768x32xf32, #tpu.memory_space<vmem_shared>>
            tpu.wait_indirect_dma semaphore(%arg18 : memref<!tpu.dma_semaphore, #tpu.memory_space<semaphore_mem>>) src(%arg12 : memref<128x32xf32, #tpu.memory_space<vmem>>) dst(%dma_wait3A_122 : memref<32768x32xf32, #tpu.memory_space<vmem_shared>>)
            %add3A_123 = arith.constant 2 : i32
            %add3A_124 = arith.addi %mul3A_72, %add3A_123 : i32
            %dma_start3A_125 = arith.constant 0 : i32
            %dma_start3A_126 = tpu.memref_slice %arg9[%add3A_124, %dma_start3A_125] : memref<64x128xi32, #tpu.memory_space<vmem>> -> memref<1x128xi32, #tpu.memory_space<vmem>>
            %dma_start3A_127 = tpu.memref_squeeze %dma_start3A_126 : memref<1x128xi32, #tpu.memory_space<vmem>> -> memref<128xi32, #tpu.memory_space<vmem>>
            %dma_start3A_128 = arith.constant 0 : i32
            %dma_start3A_129 = arith.constant 0 : i32
            %dma_start3A_130 = tpu.memref_slice %arg5[%dma_start3A_128, %dma_start3A_129] : memref<32768x32xf32, #tpu.memory_space<hbm>> -> memref<32768x32xf32, #tpu.memory_space<hbm>>
            tpu.enqueue_indirect_dma source(%dma_start3A_130 : memref<32768x32xf32, #tpu.memory_space<hbm>>) target(%arg12 : memref<128x32xf32, #tpu.memory_space<vmem>>) offsets(%dma_start3A_127 : memref<128xi32, #tpu.memory_space<vmem>>) semaphore(%arg16 : memref<!tpu.dma_semaphore, #tpu.memory_space<semaphore_mem>>)
          } else {
          }
          %add3A_109 = arith.constant 1 : i32
          %add3A_110 = arith.addi %mul3A_72, %add3A_109 : i32
          %dma_start3A_111 = arith.constant 0 : i32
          %dma_start3A_112 = tpu.memref_slice %arg10[%add3A_110, %dma_start3A_111] : memref<64x128xi32, #tpu.memory_space<vmem>> -> memref<1x128xi32, #tpu.memory_space<vmem>>
          %dma_start3A_113 = tpu.memref_squeeze %dma_start3A_112 : memref<1x128xi32, #tpu.memory_space<vmem>> -> memref<128xi32, #tpu.memory_space<vmem>>
          %dma_start3A_114 = arith.constant 0 : i32
          %dma_start3A_115 = arith.constant 0 : i32
          %dma_start3A_116 = tpu.memref_slice %arg15[%dma_start3A_114, %dma_start3A_115] : memref<32768x32xf32, #tpu.memory_space<vmem_shared>> -> memref<32768x32xf32, #tpu.memory_space<vmem_shared>>
          tpu.enqueue_indirect_dma source(%arg13 : memref<128x32xf32, #tpu.memory_space<vmem>>) target(%dma_start3A_116 : memref<32768x32xf32, #tpu.memory_space<vmem_shared>>) offsets(%dma_start3A_113 : memref<128xi32, #tpu.memory_space<vmem>>) semaphore(%arg19 : memref<!tpu.dma_semaphore, #tpu.memory_space<semaphore_mem>>) {add = true}
        }
        %scan3A_52 = arith.constant 32 : i32
        %dma_wait3A = arith.constant 0 : i32
        %dma_wait3A_53 = arith.constant 0 : i32
        %dma_wait3A_54 = tpu.memref_slice %arg10[%dma_wait3A, %dma_wait3A_53] : memref<64x128xi32, #tpu.memory_space<vmem>> -> memref<1x128xi32, #tpu.memory_space<vmem>>
        %dma_wait3A_55 = tpu.memref_squeeze %dma_wait3A_54 : memref<1x128xi32, #tpu.memory_space<vmem>> -> memref<128xi32, #tpu.memory_space<vmem>>
        %dma_wait3A_56 = arith.constant 0 : i32
        %dma_wait3A_57 = arith.constant 0 : i32
        %dma_wait3A_58 = tpu.memref_slice %arg15[%dma_wait3A_56, %dma_wait3A_57] : memref<32768x32xf32, #tpu.memory_space<vmem_shared>> -> memref<32768x32xf32, #tpu.memory_space<vmem_shared>>
        tpu.wait_indirect_dma semaphore(%arg18 : memref<!tpu.dma_semaphore, #tpu.memory_space<semaphore_mem>>) src(%arg12 : memref<128x32xf32, #tpu.memory_space<vmem>>) dst(%dma_wait3A_58 : memref<32768x32xf32, #tpu.memory_space<vmem_shared>>)
        %dma_wait3A_59 = arith.constant 0 : i32
        %dma_wait3A_60 = arith.constant 0 : i32
        %dma_wait3A_61 = tpu.memref_slice %arg10[%dma_wait3A_59, %dma_wait3A_60] : memref<64x128xi32, #tpu.memory_space<vmem>> -> memref<1x128xi32, #tpu.memory_space<vmem>>
        %dma_wait3A_62 = tpu.memref_squeeze %dma_wait3A_61 : memref<1x128xi32, #tpu.memory_space<vmem>> -> memref<128xi32, #tpu.memory_space<vmem>>
        %dma_wait3A_63 = arith.constant 0 : i32
        %dma_wait3A_64 = arith.constant 0 : i32
        %dma_wait3A_65 = tpu.memref_slice %arg15[%dma_wait3A_63, %dma_wait3A_64] : memref<32768x32xf32, #tpu.memory_space<vmem_shared>> -> memref<32768x32xf32, #tpu.memory_space<vmem_shared>>
        tpu.wait_indirect_dma semaphore(%arg19 : memref<!tpu.dma_semaphore, #tpu.memory_space<semaphore_mem>>) src(%arg13 : memref<128x32xf32, #tpu.memory_space<vmem>>) dst(%dma_wait3A_65 : memref<32768x32xf32, #tpu.memory_space<vmem_shared>>)
      }
      %scan3A_31 = arith.constant 4 : i32
    } else {
    }
    %eq3A_11 = arith.constant 1 : i32
    %eq3A_12 = arith.cmpi eq, %arg0, %eq3A_11 : i32
    %convert_element_type3A_13 = arith.extui %eq3A_12 : i1 to i32
    %cond3A_14 = arith.constant 0 : i32
    %cond3A_15 = arith.cmpi ne, %convert_element_type3A_13, %cond3A_14 : i32
    scf.if %cond3A_15 {
      %scan3A_27 = arith.constant 0 : i32
      %scan3A_28 = arith.constant 4 : i32
      %scan3A_29 = arith.addi %scan3A_27, %scan3A_28 : i32
      %scan3A_30 = arith.constant 1 : i32
      scf.for %scan3A_32 = %scan3A_27 to %scan3A_29 step %scan3A_30  : i32 {
        %mul3A = arith.constant 1 : i32
        %mul3A_33 = arith.muli %scan3A_32, %mul3A : i32
        %add3A = arith.constant 0 : i32
        %add3A_34 = arith.addi %add3A, %mul3A_33 : i32
        %mul3A_35 = arith.constant 256 : i32
        %mul3A_36 = arith.muli %arg1, %mul3A_35 : i32
        %mul3A_37 = arith.constant 64 : i32
        %mul3A_38 = arith.muli %add3A_34, %mul3A_37 : i32
        %add3A_39 = arith.addi %mul3A_36, %mul3A_38 : i32
        "tpu.region"() ({
          %run_scoped3A = tpu.sem_alloc : memref<!tpu.dma_semaphore, #tpu.memory_space<semaphore_mem>>
          %dma_start3A_66 = arith.constant 0 : i32
          %dma_start3A_67 = tpu.memref_slice %arg2[%add3A_39, %dma_start3A_66] : memref<4096x128xi32, #tpu.memory_space<hbm>> -> memref<64x128xi32, #tpu.memory_space<hbm>>
          %dma_start3A_68 = arith.constant 0 : i32
          %dma_start3A_69 = tpu.memref_slice %arg2[%add3A_39, %dma_start3A_68] : memref<4096x128xi32, #tpu.memory_space<hbm>> -> memref<64x128xi32, #tpu.memory_space<hbm>>
          tpu.enqueue_dma source(%dma_start3A_69 : memref<64x128xi32, #tpu.memory_space<hbm>>) target(%arg9 : memref<64x128xi32, #tpu.memory_space<vmem>>) target_semaphore(%run_scoped3A : memref<!tpu.dma_semaphore, #tpu.memory_space<semaphore_mem>>)
          %dma_wait3A_70 = arith.constant 0 : i32
          %dma_wait3A_71 = tpu.memref_slice %arg2[%add3A_39, %dma_wait3A_70] : memref<4096x128xi32, #tpu.memory_space<hbm>> -> memref<64x128xi32, #tpu.memory_space<hbm>>
          %dma_wait3A_72 = arith.constant 0 : i32
          %dma_wait3A_73 = tpu.memref_slice %arg2[%add3A_39, %dma_wait3A_72] : memref<4096x128xi32, #tpu.memory_space<hbm>> -> memref<64x128xi32, #tpu.memory_space<hbm>>
          tpu.wait_dma2 semaphore(%run_scoped3A : memref<!tpu.dma_semaphore, #tpu.memory_space<semaphore_mem>>) src(%dma_wait3A_73 : memref<64x128xi32, #tpu.memory_space<hbm>>) dst(%arg9 : memref<64x128xi32, #tpu.memory_space<vmem>>)
          tpu.yield
        }) : () -> ()
        "tpu.region"() ({
          %run_scoped3A = tpu.sem_alloc : memref<!tpu.dma_semaphore, #tpu.memory_space<semaphore_mem>>
          %dma_start3A_66 = arith.constant 0 : i32
          %dma_start3A_67 = tpu.memref_slice %arg3[%add3A_39, %dma_start3A_66] : memref<4096x128xi32, #tpu.memory_space<hbm>> -> memref<64x128xi32, #tpu.memory_space<hbm>>
          %dma_start3A_68 = arith.constant 0 : i32
          %dma_start3A_69 = tpu.memref_slice %arg3[%add3A_39, %dma_start3A_68] : memref<4096x128xi32, #tpu.memory_space<hbm>> -> memref<64x128xi32, #tpu.memory_space<hbm>>
          tpu.enqueue_dma source(%dma_start3A_69 : memref<64x128xi32, #tpu.memory_space<hbm>>) target(%arg10 : memref<64x128xi32, #tpu.memory_space<vmem>>) target_semaphore(%run_scoped3A : memref<!tpu.dma_semaphore, #tpu.memory_space<semaphore_mem>>)
          %dma_wait3A_70 = arith.constant 0 : i32
          %dma_wait3A_71 = tpu.memref_slice %arg3[%add3A_39, %dma_wait3A_70] : memref<4096x128xi32, #tpu.memory_space<hbm>> -> memref<64x128xi32, #tpu.memory_space<hbm>>
          %dma_wait3A_72 = arith.constant 0 : i32
          %dma_wait3A_73 = tpu.memref_slice %arg3[%add3A_39, %dma_wait3A_72] : memref<4096x128xi32, #tpu.memory_space<hbm>> -> memref<64x128xi32, #tpu.memory_space<hbm>>
          tpu.wait_dma2 semaphore(%run_scoped3A : memref<!tpu.dma_semaphore, #tpu.memory_space<semaphore_mem>>) src(%dma_wait3A_73 : memref<64x128xi32, #tpu.memory_space<hbm>>) dst(%arg10 : memref<64x128xi32, #tpu.memory_space<vmem>>)
          tpu.yield
        }) : () -> ()
        %mul3A_40 = arith.constant 128 : i32
        %mul3A_41 = arith.muli %add3A_39, %mul3A_40 : i32
        "tpu.region"() ({
          %run_scoped3A = tpu.sem_alloc : memref<!tpu.dma_semaphore, #tpu.memory_space<semaphore_mem>>
          %dma_start3A_66 = tpu.memref_slice %arg4[%mul3A_41] : memref<524288xf32, #tpu.memory_space<hbm>> -> memref<8192xf32, #tpu.memory_space<hbm>>
          %dma_start3A_67 = tpu.memref_slice %arg4[%mul3A_41] : memref<524288xf32, #tpu.memory_space<hbm>> -> memref<8192xf32, #tpu.memory_space<hbm>>
          tpu.enqueue_dma source(%dma_start3A_67 : memref<8192xf32, #tpu.memory_space<hbm>>) target(%arg11 : memref<8192xf32, #tpu.memory_space<vmem>>) target_semaphore(%run_scoped3A : memref<!tpu.dma_semaphore, #tpu.memory_space<semaphore_mem>>)
          %dma_wait3A_68 = tpu.memref_slice %arg4[%mul3A_41] : memref<524288xf32, #tpu.memory_space<hbm>> -> memref<8192xf32, #tpu.memory_space<hbm>>
          %dma_wait3A_69 = tpu.memref_slice %arg4[%mul3A_41] : memref<524288xf32, #tpu.memory_space<hbm>> -> memref<8192xf32, #tpu.memory_space<hbm>>
          tpu.wait_dma2 semaphore(%run_scoped3A : memref<!tpu.dma_semaphore, #tpu.memory_space<semaphore_mem>>) src(%dma_wait3A_69 : memref<8192xf32, #tpu.memory_space<hbm>>) dst(%arg11 : memref<8192xf32, #tpu.memory_space<vmem>>)
          tpu.yield
        }) : () -> ()
        %dma_start3A = arith.constant 0 : i32
        %dma_start3A_42 = arith.constant 0 : i32
        %dma_start3A_43 = tpu.memref_slice %arg9[%dma_start3A, %dma_start3A_42] : memref<64x128xi32, #tpu.memory_space<vmem>> -> memref<1x128xi32, #tpu.memory_space<vmem>>
        %dma_start3A_44 = tpu.memref_squeeze %dma_start3A_43 : memref<1x128xi32, #tpu.memory_space<vmem>> -> memref<128xi32, #tpu.memory_space<vmem>>
        %dma_start3A_45 = arith.constant 0 : i32
        %dma_start3A_46 = arith.constant 0 : i32
        %dma_start3A_47 = tpu.memref_slice %arg6[%dma_start3A_45, %dma_start3A_46] : memref<32768x32xf32, #tpu.memory_space<hbm>> -> memref<32768x32xf32, #tpu.memory_space<hbm>>
        tpu.enqueue_indirect_dma source(%dma_start3A_47 : memref<32768x32xf32, #tpu.memory_space<hbm>>) target(%arg12 : memref<128x32xf32, #tpu.memory_space<vmem>>) offsets(%dma_start3A_44 : memref<128xi32, #tpu.memory_space<vmem>>) semaphore(%arg16 : memref<!tpu.dma_semaphore, #tpu.memory_space<semaphore_mem>>)
        %scan3A_48 = arith.constant 0 : i32
        %scan3A_49 = arith.constant 32 : i32
        %scan3A_50 = arith.addi %scan3A_48, %scan3A_49 : i32
        %scan3A_51 = arith.constant 1 : i32
        scf.for %scan3A_66 = %scan3A_48 to %scan3A_50 step %scan3A_51  : i32 {
          %mul3A_67 = arith.constant 1 : i32
          %mul3A_68 = arith.muli %scan3A_66, %mul3A_67 : i32
          %add3A_69 = arith.constant 0 : i32
          %add3A_70 = arith.addi %add3A_69, %mul3A_68 : i32
          %mul3A_71 = arith.constant 2 : i32
          %mul3A_72 = arith.muli %add3A_70, %mul3A_71 : i32
          %dma_wait3A_73 = arith.constant 0 : i32
          %dma_wait3A_74 = tpu.memref_slice %arg9[%mul3A_72, %dma_wait3A_73] : memref<64x128xi32, #tpu.memory_space<vmem>> -> memref<1x128xi32, #tpu.memory_space<vmem>>
          %dma_wait3A_75 = tpu.memref_squeeze %dma_wait3A_74 : memref<1x128xi32, #tpu.memory_space<vmem>> -> memref<128xi32, #tpu.memory_space<vmem>>
          %dma_wait3A_76 = arith.constant 0 : i32
          %dma_wait3A_77 = arith.constant 0 : i32
          %dma_wait3A_78 = tpu.memref_slice %arg6[%dma_wait3A_76, %dma_wait3A_77] : memref<32768x32xf32, #tpu.memory_space<hbm>> -> memref<32768x32xf32, #tpu.memory_space<hbm>>
          tpu.wait_indirect_dma semaphore(%arg16 : memref<!tpu.dma_semaphore, #tpu.memory_space<semaphore_mem>>) src(%dma_wait3A_78 : memref<32768x32xf32, #tpu.memory_space<hbm>>) dst(%arg12 : memref<128x32xf32, #tpu.memory_space<vmem>>)
          %gt3A = arith.constant 0 : i32
          %gt3A_79 = arith.cmpi sgt, %add3A_70, %gt3A : i32
          %convert_element_type3A_80 = arith.extui %gt3A_79 : i1 to i32
          %cond3A_81 = arith.constant 0 : i32
          %cond3A_82 = arith.cmpi ne, %convert_element_type3A_80, %cond3A_81 : i32
          scf.if %cond3A_82 {
            %dma_wait3A_117 = arith.constant 0 : i32
            %dma_wait3A_118 = tpu.memref_slice %arg10[%mul3A_72, %dma_wait3A_117] : memref<64x128xi32, #tpu.memory_space<vmem>> -> memref<1x128xi32, #tpu.memory_space<vmem>>
            %dma_wait3A_119 = tpu.memref_squeeze %dma_wait3A_118 : memref<1x128xi32, #tpu.memory_space<vmem>> -> memref<128xi32, #tpu.memory_space<vmem>>
            %dma_wait3A_120 = arith.constant 0 : i32
            %dma_wait3A_121 = arith.constant 0 : i32
            %dma_wait3A_122 = tpu.memref_slice %arg15[%dma_wait3A_120, %dma_wait3A_121] : memref<32768x32xf32, #tpu.memory_space<vmem_shared>> -> memref<32768x32xf32, #tpu.memory_space<vmem_shared>>
            tpu.wait_indirect_dma semaphore(%arg19 : memref<!tpu.dma_semaphore, #tpu.memory_space<semaphore_mem>>) src(%arg13 : memref<128x32xf32, #tpu.memory_space<vmem>>) dst(%dma_wait3A_122 : memref<32768x32xf32, #tpu.memory_space<vmem_shared>>)
          } else {
          }
          %add3A_83 = arith.constant 1 : i32
          %add3A_84 = arith.addi %mul3A_72, %add3A_83 : i32
          %dma_start3A_85 = arith.constant 0 : i32
          %dma_start3A_86 = tpu.memref_slice %arg9[%add3A_84, %dma_start3A_85] : memref<64x128xi32, #tpu.memory_space<vmem>> -> memref<1x128xi32, #tpu.memory_space<vmem>>
          %dma_start3A_87 = tpu.memref_squeeze %dma_start3A_86 : memref<1x128xi32, #tpu.memory_space<vmem>> -> memref<128xi32, #tpu.memory_space<vmem>>
          %dma_start3A_88 = arith.constant 0 : i32
          %dma_start3A_89 = arith.constant 0 : i32
          %dma_start3A_90 = tpu.memref_slice %arg6[%dma_start3A_88, %dma_start3A_89] : memref<32768x32xf32, #tpu.memory_space<hbm>> -> memref<32768x32xf32, #tpu.memory_space<hbm>>
          tpu.enqueue_indirect_dma source(%dma_start3A_90 : memref<32768x32xf32, #tpu.memory_space<hbm>>) target(%arg13 : memref<128x32xf32, #tpu.memory_space<vmem>>) offsets(%dma_start3A_87 : memref<128xi32, #tpu.memory_space<vmem>>) semaphore(%arg17 : memref<!tpu.dma_semaphore, #tpu.memory_space<semaphore_mem>>)
          %dma_start3A_91 = arith.constant 0 : i32
          %dma_start3A_92 = tpu.memref_slice %arg10[%mul3A_72, %dma_start3A_91] : memref<64x128xi32, #tpu.memory_space<vmem>> -> memref<1x128xi32, #tpu.memory_space<vmem>>
          %dma_start3A_93 = tpu.memref_squeeze %dma_start3A_92 : memref<1x128xi32, #tpu.memory_space<vmem>> -> memref<128xi32, #tpu.memory_space<vmem>>
          %dma_start3A_94 = arith.constant 0 : i32
          %dma_start3A_95 = arith.constant 0 : i32
          %dma_start3A_96 = tpu.memref_slice %arg15[%dma_start3A_94, %dma_start3A_95] : memref<32768x32xf32, #tpu.memory_space<vmem_shared>> -> memref<32768x32xf32, #tpu.memory_space<vmem_shared>>
          tpu.enqueue_indirect_dma source(%arg12 : memref<128x32xf32, #tpu.memory_space<vmem>>) target(%dma_start3A_96 : memref<32768x32xf32, #tpu.memory_space<vmem_shared>>) offsets(%dma_start3A_93 : memref<128xi32, #tpu.memory_space<vmem>>) semaphore(%arg18 : memref<!tpu.dma_semaphore, #tpu.memory_space<semaphore_mem>>) {add = true}
          %add3A_97 = arith.constant 1 : i32
          %add3A_98 = arith.addi %mul3A_72, %add3A_97 : i32
          %dma_wait3A_99 = arith.constant 0 : i32
          %dma_wait3A_100 = tpu.memref_slice %arg9[%add3A_98, %dma_wait3A_99] : memref<64x128xi32, #tpu.memory_space<vmem>> -> memref<1x128xi32, #tpu.memory_space<vmem>>
          %dma_wait3A_101 = tpu.memref_squeeze %dma_wait3A_100 : memref<1x128xi32, #tpu.memory_space<vmem>> -> memref<128xi32, #tpu.memory_space<vmem>>
          %dma_wait3A_102 = arith.constant 0 : i32
          %dma_wait3A_103 = arith.constant 0 : i32
          %dma_wait3A_104 = tpu.memref_slice %arg6[%dma_wait3A_102, %dma_wait3A_103] : memref<32768x32xf32, #tpu.memory_space<hbm>> -> memref<32768x32xf32, #tpu.memory_space<hbm>>
          tpu.wait_indirect_dma semaphore(%arg17 : memref<!tpu.dma_semaphore, #tpu.memory_space<semaphore_mem>>) src(%dma_wait3A_104 : memref<32768x32xf32, #tpu.memory_space<hbm>>) dst(%arg13 : memref<128x32xf32, #tpu.memory_space<vmem>>)
          %lt3A = arith.constant 31 : i32
          %lt3A_105 = arith.cmpi slt, %add3A_70, %lt3A : i32
          %convert_element_type3A_106 = arith.extui %lt3A_105 : i1 to i32
          %cond3A_107 = arith.constant 0 : i32
          %cond3A_108 = arith.cmpi ne, %convert_element_type3A_106, %cond3A_107 : i32
          scf.if %cond3A_108 {
            %dma_wait3A_117 = arith.constant 0 : i32
            %dma_wait3A_118 = tpu.memref_slice %arg10[%mul3A_72, %dma_wait3A_117] : memref<64x128xi32, #tpu.memory_space<vmem>> -> memref<1x128xi32, #tpu.memory_space<vmem>>
            %dma_wait3A_119 = tpu.memref_squeeze %dma_wait3A_118 : memref<1x128xi32, #tpu.memory_space<vmem>> -> memref<128xi32, #tpu.memory_space<vmem>>
            %dma_wait3A_120 = arith.constant 0 : i32
            %dma_wait3A_121 = arith.constant 0 : i32
            %dma_wait3A_122 = tpu.memref_slice %arg15[%dma_wait3A_120, %dma_wait3A_121] : memref<32768x32xf32, #tpu.memory_space<vmem_shared>> -> memref<32768x32xf32, #tpu.memory_space<vmem_shared>>
            tpu.wait_indirect_dma semaphore(%arg18 : memref<!tpu.dma_semaphore, #tpu.memory_space<semaphore_mem>>) src(%arg12 : memref<128x32xf32, #tpu.memory_space<vmem>>) dst(%dma_wait3A_122 : memref<32768x32xf32, #tpu.memory_space<vmem_shared>>)
            %add3A_123 = arith.constant 2 : i32
            %add3A_124 = arith.addi %mul3A_72, %add3A_123 : i32
            %dma_start3A_125 = arith.constant 0 : i32
            %dma_start3A_126 = tpu.memref_slice %arg9[%add3A_124, %dma_start3A_125] : memref<64x128xi32, #tpu.memory_space<vmem>> -> memref<1x128xi32, #tpu.memory_space<vmem>>
            %dma_start3A_127 = tpu.memref_squeeze %dma_start3A_126 : memref<1x128xi32, #tpu.memory_space<vmem>> -> memref<128xi32, #tpu.memory_space<vmem>>
            %dma_start3A_128 = arith.constant 0 : i32
            %dma_start3A_129 = arith.constant 0 : i32
            %dma_start3A_130 = tpu.memref_slice %arg6[%dma_start3A_128, %dma_start3A_129] : memref<32768x32xf32, #tpu.memory_space<hbm>> -> memref<32768x32xf32, #tpu.memory_space<hbm>>
            tpu.enqueue_indirect_dma source(%dma_start3A_130 : memref<32768x32xf32, #tpu.memory_space<hbm>>) target(%arg12 : memref<128x32xf32, #tpu.memory_space<vmem>>) offsets(%dma_start3A_127 : memref<128xi32, #tpu.memory_space<vmem>>) semaphore(%arg16 : memref<!tpu.dma_semaphore, #tpu.memory_space<semaphore_mem>>)
          } else {
          }
          %add3A_109 = arith.constant 1 : i32
          %add3A_110 = arith.addi %mul3A_72, %add3A_109 : i32
          %dma_start3A_111 = arith.constant 0 : i32
          %dma_start3A_112 = tpu.memref_slice %arg10[%add3A_110, %dma_start3A_111] : memref<64x128xi32, #tpu.memory_space<vmem>> -> memref<1x128xi32, #tpu.memory_space<vmem>>
          %dma_start3A_113 = tpu.memref_squeeze %dma_start3A_112 : memref<1x128xi32, #tpu.memory_space<vmem>> -> memref<128xi32, #tpu.memory_space<vmem>>
          %dma_start3A_114 = arith.constant 0 : i32
          %dma_start3A_115 = arith.constant 0 : i32
          %dma_start3A_116 = tpu.memref_slice %arg15[%dma_start3A_114, %dma_start3A_115] : memref<32768x32xf32, #tpu.memory_space<vmem_shared>> -> memref<32768x32xf32, #tpu.memory_space<vmem_shared>>
          tpu.enqueue_indirect_dma source(%arg13 : memref<128x32xf32, #tpu.memory_space<vmem>>) target(%dma_start3A_116 : memref<32768x32xf32, #tpu.memory_space<vmem_shared>>) offsets(%dma_start3A_113 : memref<128xi32, #tpu.memory_space<vmem>>) semaphore(%arg19 : memref<!tpu.dma_semaphore, #tpu.memory_space<semaphore_mem>>) {add = true}
        }
        %scan3A_52 = arith.constant 32 : i32
        %dma_wait3A = arith.constant 0 : i32
        %dma_wait3A_53 = arith.constant 0 : i32
        %dma_wait3A_54 = tpu.memref_slice %arg10[%dma_wait3A, %dma_wait3A_53] : memref<64x128xi32, #tpu.memory_space<vmem>> -> memref<1x128xi32, #tpu.memory_space<vmem>>
        %dma_wait3A_55 = tpu.memref_squeeze %dma_wait3A_54 : memref<1x128xi32, #tpu.memory_space<vmem>> -> memref<128xi32, #tpu.memory_space<vmem>>
        %dma_wait3A_56 = arith.constant 0 : i32
        %dma_wait3A_57 = arith.constant 0 : i32
        %dma_wait3A_58 = tpu.memref_slice %arg15[%dma_wait3A_56, %dma_wait3A_57] : memref<32768x32xf32, #tpu.memory_space<vmem_shared>> -> memref<32768x32xf32, #tpu.memory_space<vmem_shared>>
        tpu.wait_indirect_dma semaphore(%arg18 : memref<!tpu.dma_semaphore, #tpu.memory_space<semaphore_mem>>) src(%arg12 : memref<128x32xf32, #tpu.memory_space<vmem>>) dst(%dma_wait3A_58 : memref<32768x32xf32, #tpu.memory_space<vmem_shared>>)
        %dma_wait3A_59 = arith.constant 0 : i32
        %dma_wait3A_60 = arith.constant 0 : i32
        %dma_wait3A_61 = tpu.memref_slice %arg10[%dma_wait3A_59, %dma_wait3A_60] : memref<64x128xi32, #tpu.memory_space<vmem>> -> memref<1x128xi32, #tpu.memory_space<vmem>>
        %dma_wait3A_62 = tpu.memref_squeeze %dma_wait3A_61 : memref<1x128xi32, #tpu.memory_space<vmem>> -> memref<128xi32, #tpu.memory_space<vmem>>
        %dma_wait3A_63 = arith.constant 0 : i32
        %dma_wait3A_64 = arith.constant 0 : i32
        %dma_wait3A_65 = tpu.memref_slice %arg15[%dma_wait3A_63, %dma_wait3A_64] : memref<32768x32xf32, #tpu.memory_space<vmem_shared>> -> memref<32768x32xf32, #tpu.memory_space<vmem_shared>>
        tpu.wait_indirect_dma semaphore(%arg19 : memref<!tpu.dma_semaphore, #tpu.memory_space<semaphore_mem>>) src(%arg13 : memref<128x32xf32, #tpu.memory_space<vmem>>) dst(%dma_wait3A_65 : memref<32768x32xf32, #tpu.memory_space<vmem_shared>>)
      }
      %scan3A_31 = arith.constant 4 : i32
    } else {
    }
    %barrier3A_16 = arith.constant 0 : index
    tpu.barrier barrier_id(%barrier3A_16)
    %eq3A_17 = arith.constant 0 : i32
    %eq3A_18 = arith.cmpi eq, %arg0, %eq3A_17 : i32
    %convert_element_type3A_19 = arith.extui %eq3A_18 : i1 to i32
    %cond3A_20 = arith.constant 0 : i32
    %cond3A_21 = arith.cmpi ne, %convert_element_type3A_19, %cond3A_20 : i32
    scf.if %cond3A_21 {
      %mul3A = arith.constant 2048 : i32
      %mul3A_27 = arith.muli %arg1, %mul3A : i32
      %mul3A_28 = arith.constant 2048 : i32
      %mul3A_29 = arith.muli %arg1, %mul3A_28 : i32
      "tpu.region"() ({
        %run_scoped3A = tpu.sem_alloc : memref<!tpu.dma_semaphore, #tpu.memory_space<semaphore_mem>>
        %dma_start3A = arith.constant 0 : i32
        %dma_start3A_30 = tpu.memref_slice %arg7[%mul3A_29, %dma_start3A] : memref<32768x32xf32, #tpu.memory_space<hbm>> -> memref<2048x32xf32, #tpu.memory_space<hbm>>
        %dma_start3A_31 = arith.constant 0 : i32
        %dma_start3A_32 = tpu.memref_slice %arg15[%mul3A_27, %dma_start3A_31] : memref<32768x32xf32, #tpu.memory_space<vmem_shared>> -> memref<2048x32xf32, #tpu.memory_space<vmem_shared>>
        tpu.enqueue_dma source(%dma_start3A_32 : memref<2048x32xf32, #tpu.memory_space<vmem_shared>>) target(%dma_start3A_30 : memref<2048x32xf32, #tpu.memory_space<hbm>>) target_semaphore(%run_scoped3A : memref<!tpu.dma_semaphore, #tpu.memory_space<semaphore_mem>>)
        %dma_wait3A = arith.constant 0 : i32
        %dma_wait3A_33 = tpu.memref_slice %arg7[%mul3A_29, %dma_wait3A] : memref<32768x32xf32, #tpu.memory_space<hbm>> -> memref<2048x32xf32, #tpu.memory_space<hbm>>
        %dma_wait3A_34 = arith.constant 0 : i32
        %dma_wait3A_35 = tpu.memref_slice %arg15[%mul3A_27, %dma_wait3A_34] : memref<32768x32xf32, #tpu.memory_space<vmem_shared>> -> memref<2048x32xf32, #tpu.memory_space<vmem_shared>>
        tpu.wait_dma2 semaphore(%run_scoped3A : memref<!tpu.dma_semaphore, #tpu.memory_space<semaphore_mem>>) src(%dma_wait3A_35 : memref<2048x32xf32, #tpu.memory_space<vmem_shared>>) dst(%dma_wait3A_33 : memref<2048x32xf32, #tpu.memory_space<hbm>>)
        tpu.yield
      }) : () -> ()
    } else {
    }
    %eq3A_22 = arith.constant 1 : i32
    %eq3A_23 = arith.cmpi eq, %arg0, %eq3A_22 : i32
    %convert_element_type3A_24 = arith.extui %eq3A_23 : i1 to i32
    %cond3A_25 = arith.constant 0 : i32
    %cond3A_26 = arith.cmpi ne, %convert_element_type3A_24, %cond3A_25 : i32
    scf.if %cond3A_26 {
      %mul3A = arith.constant 2048 : i32
      %mul3A_27 = arith.muli %arg1, %mul3A : i32
      %mul3A_28 = arith.constant 2048 : i32
      %mul3A_29 = arith.muli %arg1, %mul3A_28 : i32
      "tpu.region"() ({
        %run_scoped3A = tpu.sem_alloc : memref<!tpu.dma_semaphore, #tpu.memory_space<semaphore_mem>>
        %dma_start3A = arith.constant 0 : i32
        %dma_start3A_30 = tpu.memref_slice %arg8[%mul3A_29, %dma_start3A] : memref<32768x32xf32, #tpu.memory_space<hbm>> -> memref<2048x32xf32, #tpu.memory_space<hbm>>
        %dma_start3A_31 = arith.constant 0 : i32
        %dma_start3A_32 = tpu.memref_slice %arg15[%mul3A_27, %dma_start3A_31] : memref<32768x32xf32, #tpu.memory_space<vmem_shared>> -> memref<2048x32xf32, #tpu.memory_space<vmem_shared>>
        tpu.enqueue_dma source(%dma_start3A_32 : memref<2048x32xf32, #tpu.memory_space<vmem_shared>>) target(%dma_start3A_30 : memref<2048x32xf32, #tpu.memory_space<hbm>>) target_semaphore(%run_scoped3A : memref<!tpu.dma_semaphore, #tpu.memory_space<semaphore_mem>>)
        %dma_wait3A = arith.constant 0 : i32
        %dma_wait3A_33 = tpu.memref_slice %arg8[%mul3A_29, %dma_wait3A] : memref<32768x32xf32, #tpu.memory_space<hbm>> -> memref<2048x32xf32, #tpu.memory_space<hbm>>
        %dma_wait3A_34 = arith.constant 0 : i32
        %dma_wait3A_35 = tpu.memref_slice %arg15[%mul3A_27, %dma_wait3A_34] : memref<32768x32xf32, #tpu.memory_space<vmem_shared>> -> memref<2048x32xf32, #tpu.memory_space<vmem_shared>>
        tpu.wait_dma2 semaphore(%run_scoped3A : memref<!tpu.dma_semaphore, #tpu.memory_space<semaphore_mem>>) src(%dma_wait3A_35 : memref<2048x32xf32, #tpu.memory_space<vmem_shared>>) dst(%dma_wait3A_33 : memref<2048x32xf32, #tpu.memory_space<hbm>>)
        tpu.yield
      }) : () -> ()
    } else {
    }
    return
  }
}

#map = affine_map<(d0, d1) -> (0, 0)>
module attributes {stable_mosaic.version = 14 : i64} {
  func.func @_deg_partials(%arg0: i32, %arg1: i32, %arg2: memref<4096x128xi32, #tpu.memory_space<hbm>>, %arg3: memref<4096x128xf32, #tpu.memory_space<hbm>>, %arg4: memref<2x32768xf32, #tpu.memory_space<hbm>>, %arg5: memref<128x128xi32, #tpu.memory_space<vmem>>, %arg6: memref<128x128xf32, #tpu.memory_space<vmem>>, %arg7: memref<2048xf32, #tpu.memory_space<vmem>>, %arg8: memref<32768xf32, #tpu.memory_space<vmem_shared>>) attributes {dimension_semantics = [#tpu.dimension_semantics<core_parallel>, #tpu.dimension_semantics<subcore_parallel>], iteration_bounds = array<i64: 2, 16>, scalar_prefetch = 0 : i64, scratch_operands = 4 : i64, tpu.core_type = #tpu.core_type<sc_vector_subcore>, window_params = [{transform_indices = #map}, {transform_indices = #map}, {transform_indices = #map}]} {
    %mul3A = arith.constant 16 : i32
    %mul3A_0 = arith.muli %arg0, %mul3A : i32
    %add3A = arith.addi %mul3A_0, %arg1 : i32
    %scan3A = arith.constant 0 : i32
    %scan3A_1 = arith.constant 128 : i32
    %scan3A_2 = arith.addi %scan3A, %scan3A_1 : i32
    %scan3A_3 = arith.constant 1 : i32
    scf.for %scan3A_21 = %scan3A to %scan3A_2 step %scan3A_3  : i32 {
      %mul3A_22 = arith.constant 1 : i32
      %mul3A_23 = arith.muli %scan3A_21, %mul3A_22 : i32
      %add3A_24 = arith.constant 0 : i32
      %add3A_25 = arith.addi %add3A_24, %mul3A_23 : i32
      %broadcast_in_dim3A = arith.constant 0.000000e+00 : f32
      %broadcast_in_dim3A_26 = vector.broadcast %broadcast_in_dim3A : f32 to vector<16xf32>
      %mul3A_27 = arith.constant 16 : i32
      %mul3A_28 = arith.muli %add3A_25, %mul3A_27 : i32
      %swap3A = arith.index_cast %mul3A_28 : i32 to index
      %swap3A_29 = tpu.vector_load %arg7[%swap3A] {strides = array<i32>} : memref<2048xf32, #tpu.memory_space<vmem>>, vector<16xf32>,
      %swap3A_30 = vector.shape_cast %swap3A_29 : vector<16xf32> to vector<16xf32>
      %swap3A_31 = vector.shape_cast %broadcast_in_dim3A_26 : vector<16xf32> to vector<16xf32>
      tpu.vector_store %arg7[%swap3A], %swap3A_31 {strides = array<i32>} : memref<2048xf32, #tpu.memory_space<vmem>>, vector<16xf32>,
    }
    %scan3A_4 = arith.constant 128 : i32
    %mul3A_5 = arith.constant 2048 : i32
    %mul3A_6 = arith.muli %arg1, %mul3A_5 : i32
    "tpu.region"() ({
      %run_scoped3A = tpu.sem_alloc : memref<!tpu.dma_semaphore, #tpu.memory_space<semaphore_mem>>
      %dma_start3A = tpu.memref_slice %arg8[%mul3A_6] : memref<32768xf32, #tpu.memory_space<vmem_shared>> -> memref<2048xf32, #tpu.memory_space<vmem_shared>>
      %dma_start3A_21 = tpu.memref_slice %arg8[%mul3A_6] : memref<32768xf32, #tpu.memory_space<vmem_shared>> -> memref<2048xf32, #tpu.memory_space<vmem_shared>>
      tpu.enqueue_dma source(%arg7 : memref<2048xf32, #tpu.memory_space<vmem>>) target(%dma_start3A_21 : memref<2048xf32, #tpu.memory_space<vmem_shared>>) target_semaphore(%run_scoped3A : memref<!tpu.dma_semaphore, #tpu.memory_space<semaphore_mem>>)
      %dma_wait3A = tpu.memref_slice %arg8[%mul3A_6] : memref<32768xf32, #tpu.memory_space<vmem_shared>> -> memref<2048xf32, #tpu.memory_space<vmem_shared>>
      %dma_wait3A_22 = tpu.memref_slice %arg8[%mul3A_6] : memref<32768xf32, #tpu.memory_space<vmem_shared>> -> memref<2048xf32, #tpu.memory_space<vmem_shared>>
      tpu.wait_dma2 semaphore(%run_scoped3A : memref<!tpu.dma_semaphore, #tpu.memory_space<semaphore_mem>>) src(%arg7 : memref<2048xf32, #tpu.memory_space<vmem>>) dst(%dma_wait3A_22 : memref<2048xf32, #tpu.memory_space<vmem_shared>>)
      tpu.yield
    }) : () -> ()
    %barrier3A = arith.constant 0 : index
    tpu.barrier barrier_id(%barrier3A)
    %mul3A_7 = arith.constant 128 : i32
    %mul3A_8 = arith.muli %add3A, %mul3A_7 : i32
    "tpu.region"() ({
      %run_scoped3A = tpu.sem_alloc : memref<!tpu.dma_semaphore, #tpu.memory_space<semaphore_mem>>
      %dma_start3A = arith.constant 0 : i32
      %dma_start3A_21 = tpu.memref_slice %arg2[%mul3A_8, %dma_start3A] : memref<4096x128xi32, #tpu.memory_space<hbm>> -> memref<128x128xi32, #tpu.memory_space<hbm>>
      %dma_start3A_22 = arith.constant 0 : i32
      %dma_start3A_23 = tpu.memref_slice %arg2[%mul3A_8, %dma_start3A_22] : memref<4096x128xi32, #tpu.memory_space<hbm>> -> memref<128x128xi32, #tpu.memory_space<hbm>>
      tpu.enqueue_dma source(%dma_start3A_23 : memref<128x128xi32, #tpu.memory_space<hbm>>) target(%arg5 : memref<128x128xi32, #tpu.memory_space<vmem>>) target_semaphore(%run_scoped3A : memref<!tpu.dma_semaphore, #tpu.memory_space<semaphore_mem>>)
      %dma_wait3A = arith.constant 0 : i32
      %dma_wait3A_24 = tpu.memref_slice %arg2[%mul3A_8, %dma_wait3A] : memref<4096x128xi32, #tpu.memory_space<hbm>> -> memref<128x128xi32, #tpu.memory_space<hbm>>
      %dma_wait3A_25 = arith.constant 0 : i32
      %dma_wait3A_26 = tpu.memref_slice %arg2[%mul3A_8, %dma_wait3A_25] : memref<4096x128xi32, #tpu.memory_space<hbm>> -> memref<128x128xi32, #tpu.memory_space<hbm>>
      tpu.wait_dma2 semaphore(%run_scoped3A : memref<!tpu.dma_semaphore, #tpu.memory_space<semaphore_mem>>) src(%dma_wait3A_26 : memref<128x128xi32, #tpu.memory_space<hbm>>) dst(%arg5 : memref<128x128xi32, #tpu.memory_space<vmem>>)
      tpu.yield
    }) : () -> ()
    %mul3A_9 = arith.constant 128 : i32
    %mul3A_10 = arith.muli %add3A, %mul3A_9 : i32
    "tpu.region"() ({
      %run_scoped3A = tpu.sem_alloc : memref<!tpu.dma_semaphore, #tpu.memory_space<semaphore_mem>>
      %dma_start3A = arith.constant 0 : i32
      %dma_start3A_21 = tpu.memref_slice %arg3[%mul3A_10, %dma_start3A] : memref<4096x128xf32, #tpu.memory_space<hbm>> -> memref<128x128xf32, #tpu.memory_space<hbm>>
      %dma_start3A_22 = arith.constant 0 : i32
      %dma_start3A_23 = tpu.memref_slice %arg3[%mul3A_10, %dma_start3A_22] : memref<4096x128xf32, #tpu.memory_space<hbm>> -> memref<128x128xf32, #tpu.memory_space<hbm>>
      tpu.enqueue_dma source(%dma_start3A_23 : memref<128x128xf32, #tpu.memory_space<hbm>>) target(%arg6 : memref<128x128xf32, #tpu.memory_space<vmem>>) target_semaphore(%run_scoped3A : memref<!tpu.dma_semaphore, #tpu.memory_space<semaphore_mem>>)
      %dma_wait3A = arith.constant 0 : i32
      %dma_wait3A_24 = tpu.memref_slice %arg3[%mul3A_10, %dma_wait3A] : memref<4096x128xf32, #tpu.memory_space<hbm>> -> memref<128x128xf32, #tpu.memory_space<hbm>>
      %dma_wait3A_25 = arith.constant 0 : i32
      %dma_wait3A_26 = tpu.memref_slice %arg3[%mul3A_10, %dma_wait3A_25] : memref<4096x128xf32, #tpu.memory_space<hbm>> -> memref<128x128xf32, #tpu.memory_space<hbm>>
      tpu.wait_dma2 semaphore(%run_scoped3A : memref<!tpu.dma_semaphore, #tpu.memory_space<semaphore_mem>>) src(%dma_wait3A_26 : memref<128x128xf32, #tpu.memory_space<hbm>>) dst(%arg6 : memref<128x128xf32, #tpu.memory_space<vmem>>)
      tpu.yield
    }) : () -> ()
    %scan3A_11 = arith.constant 0 : i32
    %scan3A_12 = arith.constant 128 : i32
    %scan3A_13 = arith.addi %scan3A_11, %scan3A_12 : i32
    %scan3A_14 = arith.constant 1 : i32
    scf.for %scan3A_21 = %scan3A_11 to %scan3A_13 step %scan3A_14  : i32 {
      %mul3A_22 = arith.constant 1 : i32
      %mul3A_23 = arith.muli %scan3A_21, %mul3A_22 : i32
      %add3A_24 = arith.constant 0 : i32
      %add3A_25 = arith.addi %add3A_24, %mul3A_23 : i32
      "tpu.region"() ({
        %run_scoped3A = tpu.sem_alloc : memref<!tpu.dma_semaphore, #tpu.memory_space<semaphore_mem>>
        %dma_start3A = arith.constant 0 : i32
        %dma_start3A_26 = tpu.memref_slice %arg6[%add3A_25, %dma_start3A] : memref<128x128xf32, #tpu.memory_space<vmem>> -> memref<1x128xf32, #tpu.memory_space<vmem>>
        %dma_start3A_27 = tpu.memref_squeeze %dma_start3A_26 : memref<1x128xf32, #tpu.memory_space<vmem>> -> memref<128xf32, #tpu.memory_space<vmem>>
        %dma_start3A_28 = arith.constant 0 : i32
        %dma_start3A_29 = tpu.memref_slice %arg5[%add3A_25, %dma_start3A_28] : memref<128x128xi32, #tpu.memory_space<vmem>> -> memref<1x128xi32, #tpu.memory_space<vmem>>
        %dma_start3A_30 = tpu.memref_squeeze %dma_start3A_29 : memref<1x128xi32, #tpu.memory_space<vmem>> -> memref<128xi32, #tpu.memory_space<vmem>>
        %dma_start3A_31 = arith.constant 0 : i32
        %dma_start3A_32 = tpu.memref_slice %arg8[%dma_start3A_31] : memref<32768xf32, #tpu.memory_space<vmem_shared>> -> memref<32768xf32, #tpu.memory_space<vmem_shared>>
        tpu.enqueue_indirect_dma source(%dma_start3A_27 : memref<128xf32, #tpu.memory_space<vmem>>) target(%dma_start3A_32 : memref<32768xf32, #tpu.memory_space<vmem_shared>>) offsets(%dma_start3A_30 : memref<128xi32, #tpu.memory_space<vmem>>) semaphore(%run_scoped3A : memref<!tpu.dma_semaphore, #tpu.memory_space<semaphore_mem>>) {add = true}
        %dma_wait3A = arith.constant 0 : i32
        %dma_wait3A_33 = tpu.memref_slice %arg6[%add3A_25, %dma_wait3A] : memref<128x128xf32, #tpu.memory_space<vmem>> -> memref<1x128xf32, #tpu.memory_space<vmem>>
        %dma_wait3A_34 = tpu.memref_squeeze %dma_wait3A_33 : memref<1x128xf32, #tpu.memory_space<vmem>> -> memref<128xf32, #tpu.memory_space<vmem>>
        %dma_wait3A_35 = arith.constant 0 : i32
        %dma_wait3A_36 = tpu.memref_slice %arg5[%add3A_25, %dma_wait3A_35] : memref<128x128xi32, #tpu.memory_space<vmem>> -> memref<1x128xi32, #tpu.memory_space<vmem>>
        %dma_wait3A_37 = tpu.memref_squeeze %dma_wait3A_36 : memref<1x128xi32, #tpu.memory_space<vmem>> -> memref<128xi32, #tpu.memory_space<vmem>>
        %dma_wait3A_38 = arith.constant 0 : i32
        %dma_wait3A_39 = tpu.memref_slice %arg8[%dma_wait3A_38] : memref<32768xf32, #tpu.memory_space<vmem_shared>> -> memref<32768xf32, #tpu.memory_space<vmem_shared>>
        tpu.wait_indirect_dma semaphore(%run_scoped3A : memref<!tpu.dma_semaphore, #tpu.memory_space<semaphore_mem>>) src(%dma_wait3A_34 : memref<128xf32, #tpu.memory_space<vmem>>) dst(%dma_wait3A_39 : memref<32768xf32, #tpu.memory_space<vmem_shared>>)
        tpu.yield
      }) : () -> ()
    }
    %scan3A_15 = arith.constant 128 : i32
    %barrier3A_16 = arith.constant 0 : index
    tpu.barrier barrier_id(%barrier3A_16)
    %mul3A_17 = arith.constant 2048 : i32
    %mul3A_18 = arith.muli %arg1, %mul3A_17 : i32
    %mul3A_19 = arith.constant 2048 : i32
    %mul3A_20 = arith.muli %arg1, %mul3A_19 : i32
    "tpu.region"() ({
      %run_scoped3A = tpu.sem_alloc : memref<!tpu.dma_semaphore, #tpu.memory_space<semaphore_mem>>
      %dma_start3A = tpu.memref_slice %arg4[%arg0, %mul3A_20] : memref<2x32768xf32, #tpu.memory_space<hbm>> -> memref<1x2048xf32, #tpu.memory_space<hbm>>
      %dma_start3A_21 = tpu.memref_squeeze %dma_start3A : memref<1x2048xf32, #tpu.memory_space<hbm>> -> memref<2048xf32, #tpu.memory_space<hbm>>
      %dma_start3A_22 = tpu.memref_slice %arg8[%mul3A_18] : memref<32768xf32, #tpu.memory_space<vmem_shared>> -> memref<2048xf32, #tpu.memory_space<vmem_shared>>
      tpu.enqueue_dma source(%dma_start3A_22 : memref<2048xf32, #tpu.memory_space<vmem_shared>>) target(%dma_start3A_21 : memref<2048xf32, #tpu.memory_space<hbm>>) target_semaphore(%run_scoped3A : memref<!tpu.dma_semaphore, #tpu.memory_space<semaphore_mem>>)
      %dma_wait3A = tpu.memref_slice %arg4[%arg0, %mul3A_20] : memref<2x32768xf32, #tpu.memory_space<hbm>> -> memref<1x2048xf32, #tpu.memory_space<hbm>>
      %dma_wait3A_23 = tpu.memref_squeeze %dma_wait3A : memref<1x2048xf32, #tpu.memory_space<hbm>> -> memref<2048xf32, #tpu.memory_space<hbm>>
      %dma_wait3A_24 = tpu.memref_slice %arg8[%mul3A_18] : memref<32768xf32, #tpu.memory_space<vmem_shared>> -> memref<2048xf32, #tpu.memory_space<vmem_shared>>
      tpu.wait_dma2 semaphore(%run_scoped3A : memref<!tpu.dma_semaphore, #tpu.memory_space<semaphore_mem>>) src(%dma_wait3A_24 : memref<2048xf32, #tpu.memory_space<vmem_shared>>) dst(%dma_wait3A_23 : memref<2048xf32, #tpu.memory_space<hbm>>)
      tpu.yield
    }) : () -> ()
    return
  }
}

module attributes {stable_mosaic.version = 14 : i64} {
  func.func @_prep_body(%arg0: i32, %arg1: memref<2048x128xf32, #tpu.memory_space<vmem>>, %arg2: memref<128x64xf32, #tpu.memory_space<vmem>>, %arg3: memref<2x2048xf32, #tpu.memory_space<vmem>>, %arg4: memref<2048x32xf32, #tpu.memory_space<vmem>>, %arg5: memref<2048x32xf32, #tpu.memory_space<vmem>>, %arg6: memref<2048xf32, #tpu.memory_space<vmem>>) attributes {dimension_semantics = [#tpu.dimension_semantics<arbitrary>], iteration_bounds = array<i64: 16>, scalar_prefetch = 0 : i64, scratch_operands = 0 : i64, tpu.core_type = #tpu.core_type<tc>, window_params = [{transform_indices = @transform_0, window_bounds = array<i64: 2048, 128>}, {pipeline_mode = #tpu.pipeline_mode<synchronous>, transform_indices = @transform_1, window_bounds = array<i64: 128, 64>}, {transform_indices = @transform_2, window_bounds = array<i64: 2, 2048>}, {transform_indices = @transform_3, window_bounds = array<i64: 2048, 32>}, {transform_indices = @transform_4, window_bounds = array<i64: 2048, 32>}, {transform_indices = @transform_5, window_bounds = array<i64: 2048>}]} {
    %get3A = arith.constant 0 : index
    %get3A_0 = arith.constant 0 : index
    %get3A_1 = vector.load %arg1[%get3A, %get3A_0] : memref<2048x128xf32, #tpu.memory_space<vmem>>, vector<2048x128xf32>
    %get3A_2 = arith.constant 0 : index
    %get3A_3 = arith.constant 0 : index
    %get3A_4 = vector.load %arg2[%get3A_2, %get3A_3] : memref<128x64xf32, #tpu.memory_space<vmem>>, vector<128x64xf32>
    %dot_general3A = arith.constant dense<0.000000e+00> : vector<2048x64xf32>
    %dot_general3A_5 = tpu.matmul %get3A_1, %get3A_4, %dot_general3A {dimension_numbers = #tpu.dot_dimension_numbers<[1], [0], [0], [1], [0, 0, 1, 1], [], []>, transpose_lhs_hint = false} : vector<2048x128xf32>, vector<128x64xf32>, vector<2048x64xf32> -> vector<2048x64xf32>
    %get3A_6 = arith.constant 0 : index
    %get3A_7 = arith.constant 0 : index
    %get3A_8 = vector.load %arg3[%get3A_6, %get3A_7] : memref<2x2048xf32, #tpu.memory_space<vmem>>, vector<1x2048xf32>
    %get3A_9 = vector.shape_cast %get3A_8 : vector<1x2048xf32> to vector<2048xf32>
    %add3A = arith.constant 1.000000e+00 : f32
    %add3A_10 = vector.broadcast %add3A : f32 to vector<2048xf32>
    %add3A_11 = arith.addf %add3A_10, %get3A_9 : vector<2048xf32>
    %get3A_12 = arith.constant 1 : index
    %get3A_13 = arith.constant 0 : index
    %get3A_14 = vector.load %arg3[%get3A_12, %get3A_13] : memref<2x2048xf32, #tpu.memory_space<vmem>>, vector<1x2048xf32>
    %get3A_15 = vector.shape_cast %get3A_14 : vector<1x2048xf32> to vector<2048xf32>
    %add3A_16 = arith.addf %add3A_11, %get3A_15 : vector<2048xf32>
    %gt3A = arith.constant 0.000000e+00 : f32
    %gt3A_17 = vector.broadcast %gt3A : f32 to vector<2048xf32>
    %gt3A_18 = arith.cmpf ogt, %add3A_16, %gt3A_17 : vector<2048xf32>
    %max3A = arith.constant 9.99999996E-13 : f32
    %max3A_19 = vector.broadcast %max3A : f32 to vector<2048xf32>
    %max3A_20 = arith.maximumf %add3A_16, %max3A_19 : vector<2048xf32>
    %rsqrt3A = math.rsqrt %max3A_20 : vector<2048xf32>
    %jit3A = arith.constant 0.000000e+00 : f32
    %broadcast_in_dim3A = vector.broadcast %jit3A : f32 to vector<2048xf32>
    %select_n3A = arith.select %gt3A_18, %rsqrt3A, %broadcast_in_dim3A : vector<2048xi1>, vector<2048xf32>
    %broadcast_in_dim3A_21 = vector.shape_cast %select_n3A : vector<2048xf32> to vector<2048x1xf32>
    %mul3A = vector.broadcast %broadcast_in_dim3A_21 : vector<2048x1xf32> to vector<2048x64xf32>
    %mul3A_22 = arith.mulf %dot_general3A_5, %mul3A : vector<2048x64xf32>
    %slice3A = vector.extract_strided_slice %mul3A_22 {offsets = [0, 0], sizes = [2048, 32], strides = [1, 1]} : vector<2048x64xf32> to vector<2048x32xf32>
    %swap3A = arith.constant 0 : index
    %swap3A_23 = arith.constant 0 : index
    %swap3A_24 = vector.load %arg4[%swap3A, %swap3A_23] : memref<2048x32xf32, #tpu.memory_space<vmem>>, vector<2048x32xf32>
    tpu.vector_store %arg4[%swap3A, %swap3A_23], %slice3A {strides = array<i32>} : memref<2048x32xf32, #tpu.memory_space<vmem>>, vector<2048x32xf32>,
    %slice3A_25 = vector.extract_strided_slice %mul3A_22 {offsets = [0, 32], sizes = [2048, 32], strides = [1, 1]} : vector<2048x64xf32> to vector<2048x32xf32>
    %swap3A_26 = arith.constant 0 : index
    %swap3A_27 = arith.constant 0 : index
    %swap3A_28 = vector.load %arg5[%swap3A_26, %swap3A_27] : memref<2048x32xf32, #tpu.memory_space<vmem>>, vector<2048x32xf32>
    tpu.vector_store %arg5[%swap3A_26, %swap3A_27], %slice3A_25 {strides = array<i32>} : memref<2048x32xf32, #tpu.memory_space<vmem>>, vector<2048x32xf32>,
    %swap3A_29 = arith.constant 0 : index
    %swap3A_30 = vector.load %arg6[%swap3A_29] : memref<2048xf32, #tpu.memory_space<vmem>>, vector<2048xf32>
    tpu.vector_store %arg6[%swap3A_29], %select_n3A {strides = array<i32>} : memref<2048xf32, #tpu.memory_space<vmem>>, vector<2048xf32>,
    return
  }
  func.func @transform_0(%arg0: i32) -> (i32, i32) {
    %c0_i32 = arith.constant 0 : i32
    %c0_i32_0 = arith.constant 0 : i32
    return %arg0, %c0_i32 : i32, i32
  }
  func.func @transform_1(%arg0: i32) -> (i32, i32) {
    %c0_i32 = arith.constant 0 : i32
    %c0_i32_0 = arith.constant 0 : i32
    %c0_i32_1 = arith.constant 0 : i32
    return %c0_i32, %c0_i32_0 : i32, i32
  }
  func.func @transform_2(%arg0: i32) -> (i32, i32) {
    %c0_i32 = arith.constant 0 : i32
    %c0_i32_0 = arith.constant 0 : i32
    return %c0_i32, %arg0 : i32, i32
  }
  func.func @transform_3(%arg0: i32) -> (i32, i32) {
    %c0_i32 = arith.constant 0 : i32
    %c0_i32_0 = arith.constant 0 : i32
    return %arg0, %c0_i32 : i32, i32
  }
  func.func @transform_4(%arg0: i32) -> (i32, i32) {
    %c0_i32 = arith.constant 0 : i32
    %c0_i32_0 = arith.constant 0 : i32
    return %arg0, %c0_i32 : i32, i32
  }
  func.func @transform_5(%arg0: i32) -> i32 {
    %c0_i32 = arith.constant 0 : i32
    return %arg0 : i32
  }
}

module attributes {stable_mosaic.version = 14 : i64} {
  func.func @_head_body(%arg0: i32, %arg1: memref<2048x32xf32, #tpu.memory_space<vmem>>, %arg2: memref<2048x32xf32, #tpu.memory_space<vmem>>, %arg3: memref<2048x32xf32, #tpu.memory_space<vmem>>, %arg4: memref<2048x32xf32, #tpu.memory_space<vmem>>, %arg5: memref<2048xf32, #tpu.memory_space<vmem>>, %arg6: memref<64xf32, #tpu.memory_space<vmem>>, %arg7: memref<32x64x64xf32, #tpu.memory_space<vmem>>, %arg8: memref<64xf32, #tpu.memory_space<vmem>>, %arg9: memref<64x32xf32, #tpu.memory_space<vmem>>, %arg10: memref<32xf32, #tpu.memory_space<vmem>>, %arg11: memref<32x10xf32, #tpu.memory_space<vmem>>, %arg12: memref<10xf32, #tpu.memory_space<vmem>>, %arg13: memref<64x10xf32, #tpu.memory_space<vmem>>) attributes {dimension_semantics = [#tpu.dimension_semantics<arbitrary>], iteration_bounds = array<i64: 16>, scalar_prefetch = 0 : i64, scratch_operands = 0 : i64, tpu.core_type = #tpu.core_type<tc>, window_params = [{transform_indices = @transform_0, window_bounds = array<i64: 2048, 32>}, {transform_indices = @transform_1, window_bounds = array<i64: 2048, 32>}, {transform_indices = @transform_2, window_bounds = array<i64: 2048, 32>}, {transform_indices = @transform_3, window_bounds = array<i64: 2048, 32>}, {transform_indices = @transform_4, window_bounds = array<i64: 2048>}, {pipeline_mode = #tpu.pipeline_mode<synchronous>, transform_indices = @transform_5, window_bounds = array<i64: 64>}, {pipeline_mode = #tpu.pipeline_mode<synchronous>, transform_indices = @transform_6, window_bounds = array<i64: 32, 64, 64>}, {pipeline_mode = #tpu.pipeline_mode<synchronous>, transform_indices = @transform_7, window_bounds = array<i64: 64>}, {pipeline_mode = #tpu.pipeline_mode<synchronous>, transform_indices = @transform_8, window_bounds = array<i64: 64, 32>}, {pipeline_mode = #tpu.pipeline_mode<synchronous>, transform_indices = @transform_9, window_bounds = array<i64: 32>}, {pipeline_mode = #tpu.pipeline_mode<synchronous>, transform_indices = @transform_10, window_bounds = array<i64: 32, 10>}, {pipeline_mode = #tpu.pipeline_mode<synchronous>, transform_indices = @transform_11, window_bounds = array<i64: 10>}, {transform_indices = @transform_12, window_bounds = array<i64: 64, 10>}]} {
    %get3A = arith.constant 0 : index
    %get3A_0 = arith.constant 0 : index
    %get3A_1 = vector.load %arg1[%get3A, %get3A_0] : memref<2048x32xf32, #tpu.memory_space<vmem>>, vector<2048x32xf32>
    %get3A_2 = arith.constant 0 : index
    %get3A_3 = arith.constant 0 : index
    %get3A_4 = vector.load %arg2[%get3A_2, %get3A_3] : memref<2048x32xf32, #tpu.memory_space<vmem>>, vector<2048x32xf32>
    %concatenate3A = tpu.concatenate %get3A_1, %get3A_4 in 1 : vector<2048x32xf32>, vector<2048x32xf32> -> vector<2048x64xf32>
    %get3A_5 = arith.constant 0 : index
    %get3A_6 = arith.constant 0 : index
    %get3A_7 = vector.load %arg3[%get3A_5, %get3A_6] : memref<2048x32xf32, #tpu.memory_space<vmem>>, vector<2048x32xf32>
    %get3A_8 = arith.constant 0 : index
    %get3A_9 = arith.constant 0 : index
    %get3A_10 = vector.load %arg4[%get3A_8, %get3A_9] : memref<2048x32xf32, #tpu.memory_space<vmem>>, vector<2048x32xf32>
    %concatenate3A_11 = tpu.concatenate %get3A_7, %get3A_10 in 1 : vector<2048x32xf32>, vector<2048x32xf32> -> vector<2048x64xf32>
    %get3A_12 = arith.constant 0 : index
    %get3A_13 = vector.load %arg5[%get3A_12] : memref<2048xf32, #tpu.memory_space<vmem>>, vector<2048xf32>
    %broadcast_in_dim3A = vector.shape_cast %get3A_13 : vector<2048xf32> to vector<2048x1xf32>
    %add3A = arith.addf %concatenate3A, %concatenate3A_11 : vector<2048x64xf32>
    %mul3A = vector.broadcast %broadcast_in_dim3A : vector<2048x1xf32> to vector<2048x64xf32>
    %mul3A_14 = arith.mulf %mul3A, %add3A : vector<2048x64xf32>
    %get3A_15 = arith.constant 0 : index
    %get3A_16 = vector.load %arg6[%get3A_15] : memref<64xf32, #tpu.memory_space<vmem>>, vector<64xf32>
    %broadcast_in_dim3A_17 = vector.shape_cast %get3A_16 : vector<64xf32> to vector<1x64xf32>
    %add3A_18 = vector.broadcast %broadcast_in_dim3A_17 : vector<1x64xf32> to vector<2048x64xf32>
    %add3A_19 = arith.addf %mul3A_14, %add3A_18 : vector<2048x64xf32>
    %reshape3A = vector.shape_cast %add3A_19 : vector<2048x64xf32> to vector<64x32x64xf32>
    %broadcast_in_dim3A_20 = arith.constant 0.000000e+00 : f32
    %broadcast_in_dim3A_21 = vector.broadcast %broadcast_in_dim3A_20 : f32 to vector<64x64xf32>
    %slice3A = vector.extract_strided_slice %reshape3A {offsets = [0, 0, 0], sizes = [64, 1, 64], strides = [1, 1, 1]} : vector<64x32x64xf32> to vector<64x1x64xf32>
    %squeeze3A = vector.shape_cast %slice3A : vector<64x1x64xf32> to vector<64x64xf32>
    %get3A_22 = arith.constant 0 : index
    %get3A_23 = arith.constant 0 : index
    %get3A_24 = arith.constant 0 : index
    %get3A_25 = vector.load %arg7[%get3A_22, %get3A_23, %get3A_24] : memref<32x64x64xf32, #tpu.memory_space<vmem>>, vector<1x64x64xf32>
    %get3A_26 = vector.shape_cast %get3A_25 : vector<1x64x64xf32> to vector<64x64xf32>
    %dot_general3A = arith.constant dense<0.000000e+00> : vector<64x64xf32>
    %dot_general3A_27 = tpu.matmul %squeeze3A, %get3A_26, %dot_general3A {dimension_numbers = #tpu.dot_dimension_numbers<[1], [0], [0], [1], [0, 0, 1, 1], [], []>, transpose_lhs_hint = false} : vector<64x64xf32>, vector<64x64xf32>, vector<64x64xf32> -> vector<64x64xf32>
    %add3A_28 = arith.addf %broadcast_in_dim3A_21, %dot_general3A_27 : vector<64x64xf32>
    %slice3A_29 = vector.extract_strided_slice %reshape3A {offsets = [0, 1, 0], sizes = [64, 1, 64], strides = [1, 1, 1]} : vector<64x32x64xf32> to vector<64x1x64xf32>
    %squeeze3A_30 = vector.shape_cast %slice3A_29 : vector<64x1x64xf32> to vector<64x64xf32>
    %get3A_31 = arith.constant 1 : index
    %get3A_32 = arith.constant 0 : index
    %get3A_33 = arith.constant 0 : index
    %get3A_34 = vector.load %arg7[%get3A_31, %get3A_32, %get3A_33] : memref<32x64x64xf32, #tpu.memory_space<vmem>>, vector<1x64x64xf32>
    %get3A_35 = vector.shape_cast %get3A_34 : vector<1x64x64xf32> to vector<64x64xf32>
    %dot_general3A_36 = arith.constant dense<0.000000e+00> : vector<64x64xf32>
    %dot_general3A_37 = tpu.matmul %squeeze3A_30, %get3A_35, %dot_general3A_36 {dimension_numbers = #tpu.dot_dimension_numbers<[1], [0], [0], [1], [0, 0, 1, 1], [], []>, transpose_lhs_hint = false} : vector<64x64xf32>, vector<64x64xf32>, vector<64x64xf32> -> vector<64x64xf32>
    %add3A_38 = arith.addf %add3A_28, %dot_general3A_37 : vector<64x64xf32>
    %slice3A_39 = vector.extract_strided_slice %reshape3A {offsets = [0, 2, 0], sizes = [64, 1, 64], strides = [1, 1, 1]} : vector<64x32x64xf32> to vector<64x1x64xf32>
    %squeeze3A_40 = vector.shape_cast %slice3A_39 : vector<64x1x64xf32> to vector<64x64xf32>
    %get3A_41 = arith.constant 2 : index
    %get3A_42 = arith.constant 0 : index
    %get3A_43 = arith.constant 0 : index
    %get3A_44 = vector.load %arg7[%get3A_41, %get3A_42, %get3A_43] : memref<32x64x64xf32, #tpu.memory_space<vmem>>, vector<1x64x64xf32>
    %get3A_45 = vector.shape_cast %get3A_44 : vector<1x64x64xf32> to vector<64x64xf32>
    %dot_general3A_46 = arith.constant dense<0.000000e+00> : vector<64x64xf32>
    %dot_general3A_47 = tpu.matmul %squeeze3A_40, %get3A_45, %dot_general3A_46 {dimension_numbers = #tpu.dot_dimension_numbers<[1], [0], [0], [1], [0, 0, 1, 1], [], []>, transpose_lhs_hint = false} : vector<64x64xf32>, vector<64x64xf32>, vector<64x64xf32> -> vector<64x64xf32>
    %add3A_48 = arith.addf %add3A_38, %dot_general3A_47 : vector<64x64xf32>
    %slice3A_49 = vector.extract_strided_slice %reshape3A {offsets = [0, 3, 0], sizes = [64, 1, 64], strides = [1, 1, 1]} : vector<64x32x64xf32> to vector<64x1x64xf32>
    %squeeze3A_50 = vector.shape_cast %slice3A_49 : vector<64x1x64xf32> to vector<64x64xf32>
    %get3A_51 = arith.constant 3 : index
    %get3A_52 = arith.constant 0 : index
    %get3A_53 = arith.constant 0 : index
    %get3A_54 = vector.load %arg7[%get3A_51, %get3A_52, %get3A_53] : memref<32x64x64xf32, #tpu.memory_space<vmem>>, vector<1x64x64xf32>
    %get3A_55 = vector.shape_cast %get3A_54 : vector<1x64x64xf32> to vector<64x64xf32>
    %dot_general3A_56 = arith.constant dense<0.000000e+00> : vector<64x64xf32>
    %dot_general3A_57 = tpu.matmul %squeeze3A_50, %get3A_55, %dot_general3A_56 {dimension_numbers = #tpu.dot_dimension_numbers<[1], [0], [0], [1], [0, 0, 1, 1], [], []>, transpose_lhs_hint = false} : vector<64x64xf32>, vector<64x64xf32>, vector<64x64xf32> -> vector<64x64xf32>
    %add3A_58 = arith.addf %add3A_48, %dot_general3A_57 : vector<64x64xf32>
    %slice3A_59 = vector.extract_strided_slice %reshape3A {offsets = [0, 4, 0], sizes = [64, 1, 64], strides = [1, 1, 1]} : vector<64x32x64xf32> to vector<64x1x64xf32>
    %squeeze3A_60 = vector.shape_cast %slice3A_59 : vector<64x1x64xf32> to vector<64x64xf32>
    %get3A_61 = arith.constant 4 : index
    %get3A_62 = arith.constant 0 : index
    %get3A_63 = arith.constant 0 : index
    %get3A_64 = vector.load %arg7[%get3A_61, %get3A_62, %get3A_63] : memref<32x64x64xf32, #tpu.memory_space<vmem>>, vector<1x64x64xf32>
    %get3A_65 = vector.shape_cast %get3A_64 : vector<1x64x64xf32> to vector<64x64xf32>
    %dot_general3A_66 = arith.constant dense<0.000000e+00> : vector<64x64xf32>
    %dot_general3A_67 = tpu.matmul %squeeze3A_60, %get3A_65, %dot_general3A_66 {dimension_numbers = #tpu.dot_dimension_numbers<[1], [0], [0], [1], [0, 0, 1, 1], [], []>, transpose_lhs_hint = false} : vector<64x64xf32>, vector<64x64xf32>, vector<64x64xf32> -> vector<64x64xf32>
    %add3A_68 = arith.addf %add3A_58, %dot_general3A_67 : vector<64x64xf32>
    %slice3A_69 = vector.extract_strided_slice %reshape3A {offsets = [0, 5, 0], sizes = [64, 1, 64], strides = [1, 1, 1]} : vector<64x32x64xf32> to vector<64x1x64xf32>
    %squeeze3A_70 = vector.shape_cast %slice3A_69 : vector<64x1x64xf32> to vector<64x64xf32>
    %get3A_71 = arith.constant 5 : index
    %get3A_72 = arith.constant 0 : index
    %get3A_73 = arith.constant 0 : index
    %get3A_74 = vector.load %arg7[%get3A_71, %get3A_72, %get3A_73] : memref<32x64x64xf32, #tpu.memory_space<vmem>>, vector<1x64x64xf32>
    %get3A_75 = vector.shape_cast %get3A_74 : vector<1x64x64xf32> to vector<64x64xf32>
    %dot_general3A_76 = arith.constant dense<0.000000e+00> : vector<64x64xf32>
    %dot_general3A_77 = tpu.matmul %squeeze3A_70, %get3A_75, %dot_general3A_76 {dimension_numbers = #tpu.dot_dimension_numbers<[1], [0], [0], [1], [0, 0, 1, 1], [], []>, transpose_lhs_hint = false} : vector<64x64xf32>, vector<64x64xf32>, vector<64x64xf32> -> vector<64x64xf32>
    %add3A_78 = arith.addf %add3A_68, %dot_general3A_77 : vector<64x64xf32>
    %slice3A_79 = vector.extract_strided_slice %reshape3A {offsets = [0, 6, 0], sizes = [64, 1, 64], strides = [1, 1, 1]} : vector<64x32x64xf32> to vector<64x1x64xf32>
    %squeeze3A_80 = vector.shape_cast %slice3A_79 : vector<64x1x64xf32> to vector<64x64xf32>
    %get3A_81 = arith.constant 6 : index
    %get3A_82 = arith.constant 0 : index
    %get3A_83 = arith.constant 0 : index
    %get3A_84 = vector.load %arg7[%get3A_81, %get3A_82, %get3A_83] : memref<32x64x64xf32, #tpu.memory_space<vmem>>, vector<1x64x64xf32>
    %get3A_85 = vector.shape_cast %get3A_84 : vector<1x64x64xf32> to vector<64x64xf32>
    %dot_general3A_86 = arith.constant dense<0.000000e+00> : vector<64x64xf32>
    %dot_general3A_87 = tpu.matmul %squeeze3A_80, %get3A_85, %dot_general3A_86 {dimension_numbers = #tpu.dot_dimension_numbers<[1], [0], [0], [1], [0, 0, 1, 1], [], []>, transpose_lhs_hint = false} : vector<64x64xf32>, vector<64x64xf32>, vector<64x64xf32> -> vector<64x64xf32>
    %add3A_88 = arith.addf %add3A_78, %dot_general3A_87 : vector<64x64xf32>
    %slice3A_89 = vector.extract_strided_slice %reshape3A {offsets = [0, 7, 0], sizes = [64, 1, 64], strides = [1, 1, 1]} : vector<64x32x64xf32> to vector<64x1x64xf32>
    %squeeze3A_90 = vector.shape_cast %slice3A_89 : vector<64x1x64xf32> to vector<64x64xf32>
    %get3A_91 = arith.constant 7 : index
    %get3A_92 = arith.constant 0 : index
    %get3A_93 = arith.constant 0 : index
    %get3A_94 = vector.load %arg7[%get3A_91, %get3A_92, %get3A_93] : memref<32x64x64xf32, #tpu.memory_space<vmem>>, vector<1x64x64xf32>
    %get3A_95 = vector.shape_cast %get3A_94 : vector<1x64x64xf32> to vector<64x64xf32>
    %dot_general3A_96 = arith.constant dense<0.000000e+00> : vector<64x64xf32>
    %dot_general3A_97 = tpu.matmul %squeeze3A_90, %get3A_95, %dot_general3A_96 {dimension_numbers = #tpu.dot_dimension_numbers<[1], [0], [0], [1], [0, 0, 1, 1], [], []>, transpose_lhs_hint = false} : vector<64x64xf32>, vector<64x64xf32>, vector<64x64xf32> -> vector<64x64xf32>
    %add3A_98 = arith.addf %add3A_88, %dot_general3A_97 : vector<64x64xf32>
    %slice3A_99 = vector.extract_strided_slice %reshape3A {offsets = [0, 8, 0], sizes = [64, 1, 64], strides = [1, 1, 1]} : vector<64x32x64xf32> to vector<64x1x64xf32>
    %squeeze3A_100 = vector.shape_cast %slice3A_99 : vector<64x1x64xf32> to vector<64x64xf32>
    %get3A_101 = arith.constant 8 : index
    %get3A_102 = arith.constant 0 : index
    %get3A_103 = arith.constant 0 : index
    %get3A_104 = vector.load %arg7[%get3A_101, %get3A_102, %get3A_103] : memref<32x64x64xf32, #tpu.memory_space<vmem>>, vector<1x64x64xf32>
    %get3A_105 = vector.shape_cast %get3A_104 : vector<1x64x64xf32> to vector<64x64xf32>
    %dot_general3A_106 = arith.constant dense<0.000000e+00> : vector<64x64xf32>
    %dot_general3A_107 = tpu.matmul %squeeze3A_100, %get3A_105, %dot_general3A_106 {dimension_numbers = #tpu.dot_dimension_numbers<[1], [0], [0], [1], [0, 0, 1, 1], [], []>, transpose_lhs_hint = false} : vector<64x64xf32>, vector<64x64xf32>, vector<64x64xf32> -> vector<64x64xf32>
    %add3A_108 = arith.addf %add3A_98, %dot_general3A_107 : vector<64x64xf32>
    %slice3A_109 = vector.extract_strided_slice %reshape3A {offsets = [0, 9, 0], sizes = [64, 1, 64], strides = [1, 1, 1]} : vector<64x32x64xf32> to vector<64x1x64xf32>
    %squeeze3A_110 = vector.shape_cast %slice3A_109 : vector<64x1x64xf32> to vector<64x64xf32>
    %get3A_111 = arith.constant 9 : index
    %get3A_112 = arith.constant 0 : index
    %get3A_113 = arith.constant 0 : index
    %get3A_114 = vector.load %arg7[%get3A_111, %get3A_112, %get3A_113] : memref<32x64x64xf32, #tpu.memory_space<vmem>>, vector<1x64x64xf32>
    %get3A_115 = vector.shape_cast %get3A_114 : vector<1x64x64xf32> to vector<64x64xf32>
    %dot_general3A_116 = arith.constant dense<0.000000e+00> : vector<64x64xf32>
    %dot_general3A_117 = tpu.matmul %squeeze3A_110, %get3A_115, %dot_general3A_116 {dimension_numbers = #tpu.dot_dimension_numbers<[1], [0], [0], [1], [0, 0, 1, 1], [], []>, transpose_lhs_hint = false} : vector<64x64xf32>, vector<64x64xf32>, vector<64x64xf32> -> vector<64x64xf32>
    %add3A_118 = arith.addf %add3A_108, %dot_general3A_117 : vector<64x64xf32>
    %slice3A_119 = vector.extract_strided_slice %reshape3A {offsets = [0, 10, 0], sizes = [64, 1, 64], strides = [1, 1, 1]} : vector<64x32x64xf32> to vector<64x1x64xf32>
    %squeeze3A_120 = vector.shape_cast %slice3A_119 : vector<64x1x64xf32> to vector<64x64xf32>
    %get3A_121 = arith.constant 10 : index
    %get3A_122 = arith.constant 0 : index
    %get3A_123 = arith.constant 0 : index
    %get3A_124 = vector.load %arg7[%get3A_121, %get3A_122, %get3A_123] : memref<32x64x64xf32, #tpu.memory_space<vmem>>, vector<1x64x64xf32>
    %get3A_125 = vector.shape_cast %get3A_124 : vector<1x64x64xf32> to vector<64x64xf32>
    %dot_general3A_126 = arith.constant dense<0.000000e+00> : vector<64x64xf32>
    %dot_general3A_127 = tpu.matmul %squeeze3A_120, %get3A_125, %dot_general3A_126 {dimension_numbers = #tpu.dot_dimension_numbers<[1], [0], [0], [1], [0, 0, 1, 1], [], []>, transpose_lhs_hint = false} : vector<64x64xf32>, vector<64x64xf32>, vector<64x64xf32> -> vector<64x64xf32>
    %add3A_128 = arith.addf %add3A_118, %dot_general3A_127 : vector<64x64xf32>
    %slice3A_129 = vector.extract_strided_slice %reshape3A {offsets = [0, 11, 0], sizes = [64, 1, 64], strides = [1, 1, 1]} : vector<64x32x64xf32> to vector<64x1x64xf32>
    %squeeze3A_130 = vector.shape_cast %slice3A_129 : vector<64x1x64xf32> to vector<64x64xf32>
    %get3A_131 = arith.constant 11 : index
    %get3A_132 = arith.constant 0 : index
    %get3A_133 = arith.constant 0 : index
    %get3A_134 = vector.load %arg7[%get3A_131, %get3A_132, %get3A_133] : memref<32x64x64xf32, #tpu.memory_space<vmem>>, vector<1x64x64xf32>
    %get3A_135 = vector.shape_cast %get3A_134 : vector<1x64x64xf32> to vector<64x64xf32>
    %dot_general3A_136 = arith.constant dense<0.000000e+00> : vector<64x64xf32>
    %dot_general3A_137 = tpu.matmul %squeeze3A_130, %get3A_135, %dot_general3A_136 {dimension_numbers = #tpu.dot_dimension_numbers<[1], [0], [0], [1], [0, 0, 1, 1], [], []>, transpose_lhs_hint = false} : vector<64x64xf32>, vector<64x64xf32>, vector<64x64xf32> -> vector<64x64xf32>
    %add3A_138 = arith.addf %add3A_128, %dot_general3A_137 : vector<64x64xf32>
    %slice3A_139 = vector.extract_strided_slice %reshape3A {offsets = [0, 12, 0], sizes = [64, 1, 64], strides = [1, 1, 1]} : vector<64x32x64xf32> to vector<64x1x64xf32>
    %squeeze3A_140 = vector.shape_cast %slice3A_139 : vector<64x1x64xf32> to vector<64x64xf32>
    %get3A_141 = arith.constant 12 : index
    %get3A_142 = arith.constant 0 : index
    %get3A_143 = arith.constant 0 : index
    %get3A_144 = vector.load %arg7[%get3A_141, %get3A_142, %get3A_143] : memref<32x64x64xf32, #tpu.memory_space<vmem>>, vector<1x64x64xf32>
    %get3A_145 = vector.shape_cast %get3A_144 : vector<1x64x64xf32> to vector<64x64xf32>
    %dot_general3A_146 = arith.constant dense<0.000000e+00> : vector<64x64xf32>
    %dot_general3A_147 = tpu.matmul %squeeze3A_140, %get3A_145, %dot_general3A_146 {dimension_numbers = #tpu.dot_dimension_numbers<[1], [0], [0], [1], [0, 0, 1, 1], [], []>, transpose_lhs_hint = false} : vector<64x64xf32>, vector<64x64xf32>, vector<64x64xf32> -> vector<64x64xf32>
    %add3A_148 = arith.addf %add3A_138, %dot_general3A_147 : vector<64x64xf32>
    %slice3A_149 = vector.extract_strided_slice %reshape3A {offsets = [0, 13, 0], sizes = [64, 1, 64], strides = [1, 1, 1]} : vector<64x32x64xf32> to vector<64x1x64xf32>
    %squeeze3A_150 = vector.shape_cast %slice3A_149 : vector<64x1x64xf32> to vector<64x64xf32>
    %get3A_151 = arith.constant 13 : index
    %get3A_152 = arith.constant 0 : index
    %get3A_153 = arith.constant 0 : index
    %get3A_154 = vector.load %arg7[%get3A_151, %get3A_152, %get3A_153] : memref<32x64x64xf32, #tpu.memory_space<vmem>>, vector<1x64x64xf32>
    %get3A_155 = vector.shape_cast %get3A_154 : vector<1x64x64xf32> to vector<64x64xf32>
    %dot_general3A_156 = arith.constant dense<0.000000e+00> : vector<64x64xf32>
    %dot_general3A_157 = tpu.matmul %squeeze3A_150, %get3A_155, %dot_general3A_156 {dimension_numbers = #tpu.dot_dimension_numbers<[1], [0], [0], [1], [0, 0, 1, 1], [], []>, transpose_lhs_hint = false} : vector<64x64xf32>, vector<64x64xf32>, vector<64x64xf32> -> vector<64x64xf32>
    %add3A_158 = arith.addf %add3A_148, %dot_general3A_157 : vector<64x64xf32>
    %slice3A_159 = vector.extract_strided_slice %reshape3A {offsets = [0, 14, 0], sizes = [64, 1, 64], strides = [1, 1, 1]} : vector<64x32x64xf32> to vector<64x1x64xf32>
    %squeeze3A_160 = vector.shape_cast %slice3A_159 : vector<64x1x64xf32> to vector<64x64xf32>
    %get3A_161 = arith.constant 14 : index
    %get3A_162 = arith.constant 0 : index
    %get3A_163 = arith.constant 0 : index
    %get3A_164 = vector.load %arg7[%get3A_161, %get3A_162, %get3A_163] : memref<32x64x64xf32, #tpu.memory_space<vmem>>, vector<1x64x64xf32>
    %get3A_165 = vector.shape_cast %get3A_164 : vector<1x64x64xf32> to vector<64x64xf32>
    %dot_general3A_166 = arith.constant dense<0.000000e+00> : vector<64x64xf32>
    %dot_general3A_167 = tpu.matmul %squeeze3A_160, %get3A_165, %dot_general3A_166 {dimension_numbers = #tpu.dot_dimension_numbers<[1], [0], [0], [1], [0, 0, 1, 1], [], []>, transpose_lhs_hint = false} : vector<64x64xf32>, vector<64x64xf32>, vector<64x64xf32> -> vector<64x64xf32>
    %add3A_168 = arith.addf %add3A_158, %dot_general3A_167 : vector<64x64xf32>
    %slice3A_169 = vector.extract_strided_slice %reshape3A {offsets = [0, 15, 0], sizes = [64, 1, 64], strides = [1, 1, 1]} : vector<64x32x64xf32> to vector<64x1x64xf32>
    %squeeze3A_170 = vector.shape_cast %slice3A_169 : vector<64x1x64xf32> to vector<64x64xf32>
    %get3A_171 = arith.constant 15 : index
    %get3A_172 = arith.constant 0 : index
    %get3A_173 = arith.constant 0 : index
    %get3A_174 = vector.load %arg7[%get3A_171, %get3A_172, %get3A_173] : memref<32x64x64xf32, #tpu.memory_space<vmem>>, vector<1x64x64xf32>
    %get3A_175 = vector.shape_cast %get3A_174 : vector<1x64x64xf32> to vector<64x64xf32>
    %dot_general3A_176 = arith.constant dense<0.000000e+00> : vector<64x64xf32>
    %dot_general3A_177 = tpu.matmul %squeeze3A_170, %get3A_175, %dot_general3A_176 {dimension_numbers = #tpu.dot_dimension_numbers<[1], [0], [0], [1], [0, 0, 1, 1], [], []>, transpose_lhs_hint = false} : vector<64x64xf32>, vector<64x64xf32>, vector<64x64xf32> -> vector<64x64xf32>
    %add3A_178 = arith.addf %add3A_168, %dot_general3A_177 : vector<64x64xf32>
    %slice3A_179 = vector.extract_strided_slice %reshape3A {offsets = [0, 16, 0], sizes = [64, 1, 64], strides = [1, 1, 1]} : vector<64x32x64xf32> to vector<64x1x64xf32>
    %squeeze3A_180 = vector.shape_cast %slice3A_179 : vector<64x1x64xf32> to vector<64x64xf32>
    %get3A_181 = arith.constant 16 : index
    %get3A_182 = arith.constant 0 : index
    %get3A_183 = arith.constant 0 : index
    %get3A_184 = vector.load %arg7[%get3A_181, %get3A_182, %get3A_183] : memref<32x64x64xf32, #tpu.memory_space<vmem>>, vector<1x64x64xf32>
    %get3A_185 = vector.shape_cast %get3A_184 : vector<1x64x64xf32> to vector<64x64xf32>
    %dot_general3A_186 = arith.constant dense<0.000000e+00> : vector<64x64xf32>
    %dot_general3A_187 = tpu.matmul %squeeze3A_180, %get3A_185, %dot_general3A_186 {dimension_numbers = #tpu.dot_dimension_numbers<[1], [0], [0], [1], [0, 0, 1, 1], [], []>, transpose_lhs_hint = false} : vector<64x64xf32>, vector<64x64xf32>, vector<64x64xf32> -> vector<64x64xf32>
    %add3A_188 = arith.addf %add3A_178, %dot_general3A_187 : vector<64x64xf32>
    %slice3A_189 = vector.extract_strided_slice %reshape3A {offsets = [0, 17, 0], sizes = [64, 1, 64], strides = [1, 1, 1]} : vector<64x32x64xf32> to vector<64x1x64xf32>
    %squeeze3A_190 = vector.shape_cast %slice3A_189 : vector<64x1x64xf32> to vector<64x64xf32>
    %get3A_191 = arith.constant 17 : index
    %get3A_192 = arith.constant 0 : index
    %get3A_193 = arith.constant 0 : index
    %get3A_194 = vector.load %arg7[%get3A_191, %get3A_192, %get3A_193] : memref<32x64x64xf32, #tpu.memory_space<vmem>>, vector<1x64x64xf32>
    %get3A_195 = vector.shape_cast %get3A_194 : vector<1x64x64xf32> to vector<64x64xf32>
    %dot_general3A_196 = arith.constant dense<0.000000e+00> : vector<64x64xf32>
    %dot_general3A_197 = tpu.matmul %squeeze3A_190, %get3A_195, %dot_general3A_196 {dimension_numbers = #tpu.dot_dimension_numbers<[1], [0], [0], [1], [0, 0, 1, 1], [], []>, transpose_lhs_hint = false} : vector<64x64xf32>, vector<64x64xf32>, vector<64x64xf32> -> vector<64x64xf32>
    %add3A_198 = arith.addf %add3A_188, %dot_general3A_197 : vector<64x64xf32>
    %slice3A_199 = vector.extract_strided_slice %reshape3A {offsets = [0, 18, 0], sizes = [64, 1, 64], strides = [1, 1, 1]} : vector<64x32x64xf32> to vector<64x1x64xf32>
    %squeeze3A_200 = vector.shape_cast %slice3A_199 : vector<64x1x64xf32> to vector<64x64xf32>
    %get3A_201 = arith.constant 18 : index
    %get3A_202 = arith.constant 0 : index
    %get3A_203 = arith.constant 0 : index
    %get3A_204 = vector.load %arg7[%get3A_201, %get3A_202, %get3A_203] : memref<32x64x64xf32, #tpu.memory_space<vmem>>, vector<1x64x64xf32>
    %get3A_205 = vector.shape_cast %get3A_204 : vector<1x64x64xf32> to vector<64x64xf32>
    %dot_general3A_206 = arith.constant dense<0.000000e+00> : vector<64x64xf32>
    %dot_general3A_207 = tpu.matmul %squeeze3A_200, %get3A_205, %dot_general3A_206 {dimension_numbers = #tpu.dot_dimension_numbers<[1], [0], [0], [1], [0, 0, 1, 1], [], []>, transpose_lhs_hint = false} : vector<64x64xf32>, vector<64x64xf32>, vector<64x64xf32> -> vector<64x64xf32>
    %add3A_208 = arith.addf %add3A_198, %dot_general3A_207 : vector<64x64xf32>
    %slice3A_209 = vector.extract_strided_slice %reshape3A {offsets = [0, 19, 0], sizes = [64, 1, 64], strides = [1, 1, 1]} : vector<64x32x64xf32> to vector<64x1x64xf32>
    %squeeze3A_210 = vector.shape_cast %slice3A_209 : vector<64x1x64xf32> to vector<64x64xf32>
    %get3A_211 = arith.constant 19 : index
    %get3A_212 = arith.constant 0 : index
    %get3A_213 = arith.constant 0 : index
    %get3A_214 = vector.load %arg7[%get3A_211, %get3A_212, %get3A_213] : memref<32x64x64xf32, #tpu.memory_space<vmem>>, vector<1x64x64xf32>
    %get3A_215 = vector.shape_cast %get3A_214 : vector<1x64x64xf32> to vector<64x64xf32>
    %dot_general3A_216 = arith.constant dense<0.000000e+00> : vector<64x64xf32>
    %dot_general3A_217 = tpu.matmul %squeeze3A_210, %get3A_215, %dot_general3A_216 {dimension_numbers = #tpu.dot_dimension_numbers<[1], [0], [0], [1], [0, 0, 1, 1], [], []>, transpose_lhs_hint = false} : vector<64x64xf32>, vector<64x64xf32>, vector<64x64xf32> -> vector<64x64xf32>
    %add3A_218 = arith.addf %add3A_208, %dot_general3A_217 : vector<64x64xf32>
    %slice3A_219 = vector.extract_strided_slice %reshape3A {offsets = [0, 20, 0], sizes = [64, 1, 64], strides = [1, 1, 1]} : vector<64x32x64xf32> to vector<64x1x64xf32>
    %squeeze3A_220 = vector.shape_cast %slice3A_219 : vector<64x1x64xf32> to vector<64x64xf32>
    %get3A_221 = arith.constant 20 : index
    %get3A_222 = arith.constant 0 : index
    %get3A_223 = arith.constant 0 : index
    %get3A_224 = vector.load %arg7[%get3A_221, %get3A_222, %get3A_223] : memref<32x64x64xf32, #tpu.memory_space<vmem>>, vector<1x64x64xf32>
    %get3A_225 = vector.shape_cast %get3A_224 : vector<1x64x64xf32> to vector<64x64xf32>
    %dot_general3A_226 = arith.constant dense<0.000000e+00> : vector<64x64xf32>
    %dot_general3A_227 = tpu.matmul %squeeze3A_220, %get3A_225, %dot_general3A_226 {dimension_numbers = #tpu.dot_dimension_numbers<[1], [0], [0], [1], [0, 0, 1, 1], [], []>, transpose_lhs_hint = false} : vector<64x64xf32>, vector<64x64xf32>, vector<64x64xf32> -> vector<64x64xf32>
    %add3A_228 = arith.addf %add3A_218, %dot_general3A_227 : vector<64x64xf32>
    %slice3A_229 = vector.extract_strided_slice %reshape3A {offsets = [0, 21, 0], sizes = [64, 1, 64], strides = [1, 1, 1]} : vector<64x32x64xf32> to vector<64x1x64xf32>
    %squeeze3A_230 = vector.shape_cast %slice3A_229 : vector<64x1x64xf32> to vector<64x64xf32>
    %get3A_231 = arith.constant 21 : index
    %get3A_232 = arith.constant 0 : index
    %get3A_233 = arith.constant 0 : index
    %get3A_234 = vector.load %arg7[%get3A_231, %get3A_232, %get3A_233] : memref<32x64x64xf32, #tpu.memory_space<vmem>>, vector<1x64x64xf32>
    %get3A_235 = vector.shape_cast %get3A_234 : vector<1x64x64xf32> to vector<64x64xf32>
    %dot_general3A_236 = arith.constant dense<0.000000e+00> : vector<64x64xf32>
    %dot_general3A_237 = tpu.matmul %squeeze3A_230, %get3A_235, %dot_general3A_236 {dimension_numbers = #tpu.dot_dimension_numbers<[1], [0], [0], [1], [0, 0, 1, 1], [], []>, transpose_lhs_hint = false} : vector<64x64xf32>, vector<64x64xf32>, vector<64x64xf32> -> vector<64x64xf32>
    %add3A_238 = arith.addf %add3A_228, %dot_general3A_237 : vector<64x64xf32>
    %slice3A_239 = vector.extract_strided_slice %reshape3A {offsets = [0, 22, 0], sizes = [64, 1, 64], strides = [1, 1, 1]} : vector<64x32x64xf32> to vector<64x1x64xf32>
    %squeeze3A_240 = vector.shape_cast %slice3A_239 : vector<64x1x64xf32> to vector<64x64xf32>
    %get3A_241 = arith.constant 22 : index
    %get3A_242 = arith.constant 0 : index
    %get3A_243 = arith.constant 0 : index
    %get3A_244 = vector.load %arg7[%get3A_241, %get3A_242, %get3A_243] : memref<32x64x64xf32, #tpu.memory_space<vmem>>, vector<1x64x64xf32>
    %get3A_245 = vector.shape_cast %get3A_244 : vector<1x64x64xf32> to vector<64x64xf32>
    %dot_general3A_246 = arith.constant dense<0.000000e+00> : vector<64x64xf32>
    %dot_general3A_247 = tpu.matmul %squeeze3A_240, %get3A_245, %dot_general3A_246 {dimension_numbers = #tpu.dot_dimension_numbers<[1], [0], [0], [1], [0, 0, 1, 1], [], []>, transpose_lhs_hint = false} : vector<64x64xf32>, vector<64x64xf32>, vector<64x64xf32> -> vector<64x64xf32>
    %add3A_248 = arith.addf %add3A_238, %dot_general3A_247 : vector<64x64xf32>
    %slice3A_249 = vector.extract_strided_slice %reshape3A {offsets = [0, 23, 0], sizes = [64, 1, 64], strides = [1, 1, 1]} : vector<64x32x64xf32> to vector<64x1x64xf32>
    %squeeze3A_250 = vector.shape_cast %slice3A_249 : vector<64x1x64xf32> to vector<64x64xf32>
    %get3A_251 = arith.constant 23 : index
    %get3A_252 = arith.constant 0 : index
    %get3A_253 = arith.constant 0 : index
    %get3A_254 = vector.load %arg7[%get3A_251, %get3A_252, %get3A_253] : memref<32x64x64xf32, #tpu.memory_space<vmem>>, vector<1x64x64xf32>
    %get3A_255 = vector.shape_cast %get3A_254 : vector<1x64x64xf32> to vector<64x64xf32>
    %dot_general3A_256 = arith.constant dense<0.000000e+00> : vector<64x64xf32>
    %dot_general3A_257 = tpu.matmul %squeeze3A_250, %get3A_255, %dot_general3A_256 {dimension_numbers = #tpu.dot_dimension_numbers<[1], [0], [0], [1], [0, 0, 1, 1], [], []>, transpose_lhs_hint = false} : vector<64x64xf32>, vector<64x64xf32>, vector<64x64xf32> -> vector<64x64xf32>
    %add3A_258 = arith.addf %add3A_248, %dot_general3A_257 : vector<64x64xf32>
    %slice3A_259 = vector.extract_strided_slice %reshape3A {offsets = [0, 24, 0], sizes = [64, 1, 64], strides = [1, 1, 1]} : vector<64x32x64xf32> to vector<64x1x64xf32>
    %squeeze3A_260 = vector.shape_cast %slice3A_259 : vector<64x1x64xf32> to vector<64x64xf32>
    %get3A_261 = arith.constant 24 : index
    %get3A_262 = arith.constant 0 : index
    %get3A_263 = arith.constant 0 : index
    %get3A_264 = vector.load %arg7[%get3A_261, %get3A_262, %get3A_263] : memref<32x64x64xf32, #tpu.memory_space<vmem>>, vector<1x64x64xf32>
    %get3A_265 = vector.shape_cast %get3A_264 : vector<1x64x64xf32> to vector<64x64xf32>
    %dot_general3A_266 = arith.constant dense<0.000000e+00> : vector<64x64xf32>
    %dot_general3A_267 = tpu.matmul %squeeze3A_260, %get3A_265, %dot_general3A_266 {dimension_numbers = #tpu.dot_dimension_numbers<[1], [0], [0], [1], [0, 0, 1, 1], [], []>, transpose_lhs_hint = false} : vector<64x64xf32>, vector<64x64xf32>, vector<64x64xf32> -> vector<64x64xf32>
    %add3A_268 = arith.addf %add3A_258, %dot_general3A_267 : vector<64x64xf32>
    %slice3A_269 = vector.extract_strided_slice %reshape3A {offsets = [0, 25, 0], sizes = [64, 1, 64], strides = [1, 1, 1]} : vector<64x32x64xf32> to vector<64x1x64xf32>
    %squeeze3A_270 = vector.shape_cast %slice3A_269 : vector<64x1x64xf32> to vector<64x64xf32>
    %get3A_271 = arith.constant 25 : index
    %get3A_272 = arith.constant 0 : index
    %get3A_273 = arith.constant 0 : index
    %get3A_274 = vector.load %arg7[%get3A_271, %get3A_272, %get3A_273] : memref<32x64x64xf32, #tpu.memory_space<vmem>>, vector<1x64x64xf32>
    %get3A_275 = vector.shape_cast %get3A_274 : vector<1x64x64xf32> to vector<64x64xf32>
    %dot_general3A_276 = arith.constant dense<0.000000e+00> : vector<64x64xf32>
    %dot_general3A_277 = tpu.matmul %squeeze3A_270, %get3A_275, %dot_general3A_276 {dimension_numbers = #tpu.dot_dimension_numbers<[1], [0], [0], [1], [0, 0, 1, 1], [], []>, transpose_lhs_hint = false} : vector<64x64xf32>, vector<64x64xf32>, vector<64x64xf32> -> vector<64x64xf32>
    %add3A_278 = arith.addf %add3A_268, %dot_general3A_277 : vector<64x64xf32>
    %slice3A_279 = vector.extract_strided_slice %reshape3A {offsets = [0, 26, 0], sizes = [64, 1, 64], strides = [1, 1, 1]} : vector<64x32x64xf32> to vector<64x1x64xf32>
    %squeeze3A_280 = vector.shape_cast %slice3A_279 : vector<64x1x64xf32> to vector<64x64xf32>
    %get3A_281 = arith.constant 26 : index
    %get3A_282 = arith.constant 0 : index
    %get3A_283 = arith.constant 0 : index
    %get3A_284 = vector.load %arg7[%get3A_281, %get3A_282, %get3A_283] : memref<32x64x64xf32, #tpu.memory_space<vmem>>, vector<1x64x64xf32>
    %get3A_285 = vector.shape_cast %get3A_284 : vector<1x64x64xf32> to vector<64x64xf32>
    %dot_general3A_286 = arith.constant dense<0.000000e+00> : vector<64x64xf32>
    %dot_general3A_287 = tpu.matmul %squeeze3A_280, %get3A_285, %dot_general3A_286 {dimension_numbers = #tpu.dot_dimension_numbers<[1], [0], [0], [1], [0, 0, 1, 1], [], []>, transpose_lhs_hint = false} : vector<64x64xf32>, vector<64x64xf32>, vector<64x64xf32> -> vector<64x64xf32>
    %add3A_288 = arith.addf %add3A_278, %dot_general3A_287 : vector<64x64xf32>
    %slice3A_289 = vector.extract_strided_slice %reshape3A {offsets = [0, 27, 0], sizes = [64, 1, 64], strides = [1, 1, 1]} : vector<64x32x64xf32> to vector<64x1x64xf32>
    %squeeze3A_290 = vector.shape_cast %slice3A_289 : vector<64x1x64xf32> to vector<64x64xf32>
    %get3A_291 = arith.constant 27 : index
    %get3A_292 = arith.constant 0 : index
    %get3A_293 = arith.constant 0 : index
    %get3A_294 = vector.load %arg7[%get3A_291, %get3A_292, %get3A_293] : memref<32x64x64xf32, #tpu.memory_space<vmem>>, vector<1x64x64xf32>
    %get3A_295 = vector.shape_cast %get3A_294 : vector<1x64x64xf32> to vector<64x64xf32>
    %dot_general3A_296 = arith.constant dense<0.000000e+00> : vector<64x64xf32>
    %dot_general3A_297 = tpu.matmul %squeeze3A_290, %get3A_295, %dot_general3A_296 {dimension_numbers = #tpu.dot_dimension_numbers<[1], [0], [0], [1], [0, 0, 1, 1], [], []>, transpose_lhs_hint = false} : vector<64x64xf32>, vector<64x64xf32>, vector<64x64xf32> -> vector<64x64xf32>
    %add3A_298 = arith.addf %add3A_288, %dot_general3A_297 : vector<64x64xf32>
    %slice3A_299 = vector.extract_strided_slice %reshape3A {offsets = [0, 28, 0], sizes = [64, 1, 64], strides = [1, 1, 1]} : vector<64x32x64xf32> to vector<64x1x64xf32>
    %squeeze3A_300 = vector.shape_cast %slice3A_299 : vector<64x1x64xf32> to vector<64x64xf32>
    %get3A_301 = arith.constant 28 : index
    %get3A_302 = arith.constant 0 : index
    %get3A_303 = arith.constant 0 : index
    %get3A_304 = vector.load %arg7[%get3A_301, %get3A_302, %get3A_303] : memref<32x64x64xf32, #tpu.memory_space<vmem>>, vector<1x64x64xf32>
    %get3A_305 = vector.shape_cast %get3A_304 : vector<1x64x64xf32> to vector<64x64xf32>
    %dot_general3A_306 = arith.constant dense<0.000000e+00> : vector<64x64xf32>
    %dot_general3A_307 = tpu.matmul %squeeze3A_300, %get3A_305, %dot_general3A_306 {dimension_numbers = #tpu.dot_dimension_numbers<[1], [0], [0], [1], [0, 0, 1, 1], [], []>, transpose_lhs_hint = false} : vector<64x64xf32>, vector<64x64xf32>, vector<64x64xf32> -> vector<64x64xf32>
    %add3A_308 = arith.addf %add3A_298, %dot_general3A_307 : vector<64x64xf32>
    %slice3A_309 = vector.extract_strided_slice %reshape3A {offsets = [0, 29, 0], sizes = [64, 1, 64], strides = [1, 1, 1]} : vector<64x32x64xf32> to vector<64x1x64xf32>
    %squeeze3A_310 = vector.shape_cast %slice3A_309 : vector<64x1x64xf32> to vector<64x64xf32>
    %get3A_311 = arith.constant 29 : index
    %get3A_312 = arith.constant 0 : index
    %get3A_313 = arith.constant 0 : index
    %get3A_314 = vector.load %arg7[%get3A_311, %get3A_312, %get3A_313] : memref<32x64x64xf32, #tpu.memory_space<vmem>>, vector<1x64x64xf32>
    %get3A_315 = vector.shape_cast %get3A_314 : vector<1x64x64xf32> to vector<64x64xf32>
    %dot_general3A_316 = arith.constant dense<0.000000e+00> : vector<64x64xf32>
    %dot_general3A_317 = tpu.matmul %squeeze3A_310, %get3A_315, %dot_general3A_316 {dimension_numbers = #tpu.dot_dimension_numbers<[1], [0], [0], [1], [0, 0, 1, 1], [], []>, transpose_lhs_hint = false} : vector<64x64xf32>, vector<64x64xf32>, vector<64x64xf32> -> vector<64x64xf32>
    %add3A_318 = arith.addf %add3A_308, %dot_general3A_317 : vector<64x64xf32>
    %slice3A_319 = vector.extract_strided_slice %reshape3A {offsets = [0, 30, 0], sizes = [64, 1, 64], strides = [1, 1, 1]} : vector<64x32x64xf32> to vector<64x1x64xf32>
    %squeeze3A_320 = vector.shape_cast %slice3A_319 : vector<64x1x64xf32> to vector<64x64xf32>
    %get3A_321 = arith.constant 30 : index
    %get3A_322 = arith.constant 0 : index
    %get3A_323 = arith.constant 0 : index
    %get3A_324 = vector.load %arg7[%get3A_321, %get3A_322, %get3A_323] : memref<32x64x64xf32, #tpu.memory_space<vmem>>, vector<1x64x64xf32>
    %get3A_325 = vector.shape_cast %get3A_324 : vector<1x64x64xf32> to vector<64x64xf32>
    %dot_general3A_326 = arith.constant dense<0.000000e+00> : vector<64x64xf32>
    %dot_general3A_327 = tpu.matmul %squeeze3A_320, %get3A_325, %dot_general3A_326 {dimension_numbers = #tpu.dot_dimension_numbers<[1], [0], [0], [1], [0, 0, 1, 1], [], []>, transpose_lhs_hint = false} : vector<64x64xf32>, vector<64x64xf32>, vector<64x64xf32> -> vector<64x64xf32>
    %add3A_328 = arith.addf %add3A_318, %dot_general3A_327 : vector<64x64xf32>
    %slice3A_329 = vector.extract_strided_slice %reshape3A {offsets = [0, 31, 0], sizes = [64, 1, 64], strides = [1, 1, 1]} : vector<64x32x64xf32> to vector<64x1x64xf32>
    %squeeze3A_330 = vector.shape_cast %slice3A_329 : vector<64x1x64xf32> to vector<64x64xf32>
    %get3A_331 = arith.constant 31 : index
    %get3A_332 = arith.constant 0 : index
    %get3A_333 = arith.constant 0 : index
    %get3A_334 = vector.load %arg7[%get3A_331, %get3A_332, %get3A_333] : memref<32x64x64xf32, #tpu.memory_space<vmem>>, vector<1x64x64xf32>
    %get3A_335 = vector.shape_cast %get3A_334 : vector<1x64x64xf32> to vector<64x64xf32>
    %dot_general3A_336 = arith.constant dense<0.000000e+00> : vector<64x64xf32>
    %dot_general3A_337 = tpu.matmul %squeeze3A_330, %get3A_335, %dot_general3A_336 {dimension_numbers = #tpu.dot_dimension_numbers<[1], [0], [0], [1], [0, 0, 1, 1], [], []>, transpose_lhs_hint = false} : vector<64x64xf32>, vector<64x64xf32>, vector<64x64xf32> -> vector<64x64xf32>
    %add3A_338 = arith.addf %add3A_328, %dot_general3A_337 : vector<64x64xf32>
    %get3A_339 = arith.constant 0 : index
    %get3A_340 = vector.load %arg8[%get3A_339] : memref<64xf32, #tpu.memory_space<vmem>>, vector<64xf32>
    %broadcast_in_dim3A_341 = vector.shape_cast %get3A_340 : vector<64xf32> to vector<1x64xf32>
    %add3A_342 = vector.broadcast %broadcast_in_dim3A_341 : vector<1x64xf32> to vector<64x64xf32>
    %add3A_343 = arith.addf %add3A_338, %add3A_342 : vector<64x64xf32>
    %max3A = arith.constant 0.000000e+00 : f32
    %max3A_344 = vector.broadcast %max3A : f32 to vector<64x64xf32>
    %max3A_345 = arith.maximumf %add3A_343, %max3A_344 : vector<64x64xf32>
    %get3A_346 = arith.constant 0 : index
    %get3A_347 = arith.constant 0 : index
    %get3A_348 = vector.load %arg9[%get3A_346, %get3A_347] : memref<64x32xf32, #tpu.memory_space<vmem>>, vector<64x32xf32>
    %dot_general3A_349 = arith.constant dense<0.000000e+00> : vector<64x32xf32>
    %dot_general3A_350 = tpu.matmul %max3A_345, %get3A_348, %dot_general3A_349 {dimension_numbers = #tpu.dot_dimension_numbers<[1], [0], [0], [1], [0, 0, 1, 1], [], []>, transpose_lhs_hint = false} : vector<64x64xf32>, vector<64x32xf32>, vector<64x32xf32> -> vector<64x32xf32>
    %get3A_351 = arith.constant 0 : index
    %get3A_352 = vector.load %arg10[%get3A_351] : memref<32xf32, #tpu.memory_space<vmem>>, vector<32xf32>
    %broadcast_in_dim3A_353 = vector.shape_cast %get3A_352 : vector<32xf32> to vector<1x32xf32>
    %add3A_354 = vector.broadcast %broadcast_in_dim3A_353 : vector<1x32xf32> to vector<64x32xf32>
    %add3A_355 = arith.addf %dot_general3A_350, %add3A_354 : vector<64x32xf32>
    %max3A_356 = arith.constant 0.000000e+00 : f32
    %max3A_357 = vector.broadcast %max3A_356 : f32 to vector<64x32xf32>
    %max3A_358 = arith.maximumf %add3A_355, %max3A_357 : vector<64x32xf32>
    %get3A_359 = arith.constant 0 : index
    %get3A_360 = arith.constant 0 : index
    %get3A_361 = vector.load %arg11[%get3A_359, %get3A_360] : memref<32x10xf32, #tpu.memory_space<vmem>>, vector<32x10xf32>
    %dot_general3A_362 = arith.constant dense<0.000000e+00> : vector<64x10xf32>
    %dot_general3A_363 = tpu.matmul %max3A_358, %get3A_361, %dot_general3A_362 {dimension_numbers = #tpu.dot_dimension_numbers<[1], [0], [0], [1], [0, 0, 1, 1], [], []>, transpose_lhs_hint = false} : vector<64x32xf32>, vector<32x10xf32>, vector<64x10xf32> -> vector<64x10xf32>
    %get3A_364 = arith.constant 0 : index
    %get3A_365 = vector.load %arg12[%get3A_364] : memref<10xf32, #tpu.memory_space<vmem>>, vector<10xf32>
    %broadcast_in_dim3A_366 = vector.shape_cast %get3A_365 : vector<10xf32> to vector<1x10xf32>
    %add3A_367 = vector.broadcast %broadcast_in_dim3A_366 : vector<1x10xf32> to vector<64x10xf32>
    %add3A_368 = arith.addf %dot_general3A_363, %add3A_367 : vector<64x10xf32>
    %reduce_max3A = arith.constant dense<0xFF800000> : vector<64xf32>
    %reduce_max3A_369 = vector.multi_reduction <maximumf>, %add3A_368, %reduce_max3A [1] : vector<64x10xf32> to vector<64xf32>
    %broadcast_in_dim3A_370 = vector.shape_cast %reduce_max3A_369 : vector<64xf32> to vector<64x1xf32>
    %sub3A = vector.broadcast %broadcast_in_dim3A_370 : vector<64x1xf32> to vector<64x10xf32>
    %sub3A_371 = arith.subf %add3A_368, %sub3A : vector<64x10xf32>
    %exp3A = math.exp %sub3A_371 : vector<64x10xf32>
    %reduce_sum3A = arith.constant dense<0.000000e+00> : vector<64xf32>
    %reduce_sum3A_372 = vector.multi_reduction <add>, %exp3A, %reduce_sum3A [1] : vector<64x10xf32> to vector<64xf32>
    %broadcast_in_dim3A_373 = vector.shape_cast %reduce_sum3A_372 : vector<64xf32> to vector<64x1xf32>
    %div3A = vector.broadcast %broadcast_in_dim3A_373 : vector<64x1xf32> to vector<64x10xf32>
    %div3A_374 = arith.divf %exp3A, %div3A : vector<64x10xf32>
    %swap3A = arith.constant 0 : index
    %swap3A_375 = arith.constant 0 : index
    %swap3A_376 = vector.load %arg13[%swap3A, %swap3A_375] : memref<64x10xf32, #tpu.memory_space<vmem>>, vector<64x10xf32>
    tpu.vector_store %arg13[%swap3A, %swap3A_375], %div3A_374 {strides = array<i32>} : memref<64x10xf32, #tpu.memory_space<vmem>>, vector<64x10xf32>,
    return
  }
  func.func @transform_0(%arg0: i32) -> (i32, i32) {
    %c0_i32 = arith.constant 0 : i32
    %c0_i32_0 = arith.constant 0 : i32
    return %arg0, %c0_i32 : i32, i32
  }
  func.func @transform_1(%arg0: i32) -> (i32, i32) {
    %c0_i32 = arith.constant 0 : i32
    %c0_i32_0 = arith.constant 0 : i32
    return %arg0, %c0_i32 : i32, i32
  }
  func.func @transform_2(%arg0: i32) -> (i32, i32) {
    %c0_i32 = arith.constant 0 : i32
    %c0_i32_0 = arith.constant 0 : i32
    return %arg0, %c0_i32 : i32, i32
  }
  func.func @transform_3(%arg0: i32) -> (i32, i32) {
    %c0_i32 = arith.constant 0 : i32
    %c0_i32_0 = arith.constant 0 : i32
    return %arg0, %c0_i32 : i32, i32
  }
  func.func @transform_4(%arg0: i32) -> i32 {
    %c0_i32 = arith.constant 0 : i32
    return %arg0 : i32
  }
  func.func @transform_5(%arg0: i32) -> i32 {
    %c0_i32 = arith.constant 0 : i32
    %c0_i32_0 = arith.constant 0 : i32
    return %c0_i32 : i32
  }
  func.func @transform_6(%arg0: i32) -> (i32, i32, i32) {
    %c0_i32 = arith.constant 0 : i32
    %c0_i32_0 = arith.constant 0 : i32
    %c0_i32_1 = arith.constant 0 : i32
    %c0_i32_2 = arith.constant 0 : i32
    return %c0_i32, %c0_i32_0, %c0_i32_1 : i32, i32, i32
  }
  func.func @transform_7(%arg0: i32) -> i32 {
    %c0_i32 = arith.constant 0 : i32
    %c0_i32_0 = arith.constant 0 : i32
    return %c0_i32 : i32
  }
  func.func @transform_8(%arg0: i32) -> (i32, i32) {
    %c0_i32 = arith.constant 0 : i32
    %c0_i32_0 = arith.constant 0 : i32
    %c0_i32_1 = arith.constant 0 : i32
    return %c0_i32, %c0_i32_0 : i32, i32
  }
  func.func @transform_9(%arg0: i32) -> i32 {
    %c0_i32 = arith.constant 0 : i32
    %c0_i32_0 = arith.constant 0 : i32
    return %c0_i32 : i32
  }
  func.func @transform_10(%arg0: i32) -> (i32, i32) {
    %c0_i32 = arith.constant 0 : i32
    %c0_i32_0 = arith.constant 0 : i32
    %c0_i32_1 = arith.constant 0 : i32
    return %c0_i32, %c0_i32_0 : i32, i32
  }
  func.func @transform_11(%arg0: i32) -> i32 {
    %c0_i32 = arith.constant 0 : i32
    %c0_i32_0 = arith.constant 0 : i32
    return %c0_i32 : i32
  }
  func.func @transform_12(%arg0: i32) -> (i32, i32) {
    %c0_i32 = arith.constant 0 : i32
    %c0_i32_0 = arith.constant 0 : i32
    return %arg0, %c0_i32 : i32, i32
  }
}

</mosaic_0001>

<sc_bundles>
// kernel: kernel.6.cloned.1.call-start
scs
__scs_entry_jumppad:
0x0: {  	(pc) =	sbr.rel $0x88, $3  }
0x1: {  	(tag) =	ssettag $0x0;
	lr =	simm.s32 $0x1  }
0x2: {  	[smem:$0x3F96] =	sst lr;
	_ =	strace $0xD0000000  }
0x3: {  	_ = 	snop  }
0x4: {  	_ = 	snop  }
0x5: {  	_ = 	snop  }
0x6: {  	_ = 	snop  }
0x7: {  	_ = 	snop  }
__scs_overlays_trampoline_lowered:
0x8: {  	[smem:$0x3FA5] =	sst s0  }
0x9: {  	[smem:$0x3FA6] =	sst s1  }
0xa: {  	[smem:$0x3FA7] =	sst s2  }
0xb: {  	[smem:$0x3FA8] =	sst s3  }
0xc: {  	[smem:$0x3FA9] =	sst s4  }
0xd: {  	[smem:$0x3FAA] =	sst s5  }
0xe: {  	[smem:$0x3FAB] =	sst s6  }
0xf: {  	[smem:$0x3FAC] =	sst s7  }
0x10: {  	[smem:$0x3FAD] =	sst s8  }
0x11: {  	[smem:$0x3FAE] =	sst s9;
	s0 =	simm.s32 @!p0 $0x0  }
0x12: {  	s1 =	sld [smem:$0x3F94];
	s0 =	simm.s32 @p0 $0x1  }
0x13: {  	[smem:$0x3FAF] =	sst s0;
	s0 =	simm.s32 @!p1 $0x0  }
0x14: {  	s2 =	sld [smem:$0x3F93];
	s0 =	simm.s32 @p1 $0x1  }
0x15: {  	[smem:$0x3FB0] =	sst s0;
	s0 =	simm.s32 @!p2 $0x0  }
0x16: {  	s3 =	sld [smem:$0x3FDB];
	s0 =	simm.s32 @p2 $0x1  }
0x17: {  	s4 =	simm.s32 $0x1BF5;
	[smem:$0x3FB2] =	sst s0  }
0x18: {  	s0 =	sld [smem:$0x3F95];
	_ =	swait.ge [sflag:s4], $0x0  }
0x19: {  	s7 =	sld [smem:$0x3F96]  }
0x1a: {  	s8 =	sadd.s32 $0xFFFFE003, lr  }
0x1b: {  	s9 =	sadd.s32 $0xFFFFFEF7, lr;
	s5 =	simm.s32 $0xFFFFFFFF;
	p2 =	slt.u32 s8, $0xFFFFF086  }
0x1c: {  	p1 =	slt.u32 s9, $0xF7A;
	s5 =	simm.s32 @!p2 $0x0  }
0x1d: {  	s5 =	simm.s32 @p1 $0x1;
	p0 =	seq.s32 s7, s2  }
0x1e: {  	s7 =	smul.u32 @!p0 $0xF7A, s2;
	p2 =	seq.s32 @!p0 s5, $0x0  }
0x1f: {  	s9 =	smul.u32 $0xF7A, s1;
	s8 =	simm.s32 @!p0 $0x1BF5;
	p2 =	por !p2, p0  }
0x20: {  	[sflag:s8] =	ssyncset.s32 @!p0 $0xFFFFF086;
	s6 =	sadd.s32 @!p0 s3, s7;
	s7 =	simm.s32 @!p0 $0x108  }
0x21: {  	s3 =	sadd.s32 s3, s9;
	s6 =	sadd.s32 @!p0 $0x88, s6;
	s7 =	simm.s32 @p2 $0x1082  }
0x22: {  	[simem:s7], [sflag:s8] =	dma.local @!p0 [hbm:s6], $0xF7A  }
0x23: {  	s9 =	sor.u32 $0xD0000000, s2;
	s6 =	simm.s32 $0x108;
	_ =	swait.ge @!p0 [sflag:s8], $0x0  }
0x24: {  	s3 =	sadd.s32 $0x88, s3;
	s6 =	simm.s32 @!p1 $0x1082;
	[sflag:s4] =	ssyncset.s32 $0xFFFFF086  }
0x25: {  	[simem:s6], [sflag:s4] =	dma.local [hbm:s3], $0xF7A  }
0x26: {  	[smem:$0x3F96] =	sst s1;
	(tag) =	ssettag s2;
	_ =	strace s9  }
0x27: {  	s1 =	sld [smem:$0x3FA6]  }
0x28: {  	s2 =	sld [smem:$0x3FA7]  }
0x29: {  	s4 =	sld [smem:$0x3FA9]  }
0x2a: {  	p0 =	seq.s32 s5, $0x0;
	s5 =	sld [smem:$0x3FAA]  }
0x2b: {  	s6 =	sld [smem:$0x3FAB]  }
0x2c: {  	s7 =	sld [smem:$0x3FAC]  }
0x2d: {  	s3 =	simm.s32 $0x108;
	s8 =	sld [smem:$0x3FAD]  }
0x2e: {  	s3 =	simm.s32 @!p0 $0x1082;
	s9 =	sld [smem:$0x3FAE]  }
0x2f: {  	lr =	sadd.s32 s0, s3;
	s0 =	sld [smem:$0x3FA5]  }
0x30: {  	s3 =	sld [smem:$0x3FA8]  }
0x31: {  	[smem:$0x3FB1] =	sst s10  }
0x32: {  	s10 =	sld [smem:$0x3FAF];
	_ =	sdelay $0x3  }
0x33: {  	p0 =	seq.s32 s10, $0x1;
	s10 =	sld [smem:$0x3FB1];
	_ =	sdelay $0x3  }
0x34: {  	[smem:$0x3FB1] =	sst s10  }
0x35: {  	s10 =	sld [smem:$0x3FB0];
	_ =	sdelay $0x3  }
0x36: {  	p1 =	seq.s32 s10, $0x1;
	s10 =	sld [smem:$0x3FB1];
	_ =	sdelay $0x3  }
0x37: {  	[smem:$0x3FB1] =	sst s10  }
0x38: {  	s10 =	sld [smem:$0x3FB2]  }
0x39: {  	_ = 	snop;
	(pc) =	sbr.ind lr, $3  }
0x3a: {  	_ = 	snop  }
0x3b: {  	_ = 	snop  }
0x3c: {  	p2 =	seq.s32 s10, $0x1;
	s10 =	sld [smem:$0x3FB1]  }
0x3d: {  	_ =	shalt  }
0x3e: {  	_ =	shalt  }
0x3f: {  	_ =	shalt  }
0x40: {  	_ =	shalt  }
0x41: {  	_ =	shalt  }
0x42: {  	_ =	shalt  }
0x43: {  	_ =	shalt  }
0x44: {  	_ =	shalt  }
0x45: {  	_ =	shalt  }
0x46: {  	_ =	shalt  }
0x47: {  	_ =	shalt  }
0x48: {  	_ =	shalt  }
0x49: {  	_ =	shalt  }
0x4a: {  	_ =	shalt  }
0x4b: {  	_ =	shalt  }
0x4c: {  	_ =	shalt  }
0x4d: {  	_ =	shalt  }
0x4e: {  	_ =	shalt  }
0x4f: {  	_ =	shalt  }
0x50: {  	_ =	shalt  }
0x51: {  	_ =	shalt  }
0x52: {  	_ =	shalt  }
0x53: {  	_ =	shalt  }
0x54: {  	_ =	shalt  }
0x55: {  	_ =	shalt  }
0x56: {  	_ =	shalt  }
0x57: {  	_ =	shalt  }
0x58: {  	_ =	shalt  }
0x59: {  	_ =	shalt  }
0x5a: {  	_ =	shalt  }
0x5b: {  	_ =	shalt  }
0x5c: {  	_ =	shalt  }
0x5d: {  	_ =	shalt  }
0x5e: {  	_ =	shalt  }
0x5f: {  	_ =	shalt  }
0x60: {  	_ =	shalt  }
0x61: {  	_ =	shalt  }
0x62: {  	_ =	shalt  }
0x63: {  	_ =	shalt  }
0x64: {  	_ =	shalt  }
0x65: {  	_ =	shalt  }
0x66: {  	_ =	shalt  }
0x67: {  	_ =	shalt  }
0x68: {  	_ =	shalt  }
0x69: {  	_ =	shalt  }
0x6a: {  	_ =	shalt  }
0x6b: {  	_ =	shalt  }
0x6c: {  	_ =	shalt  }
0x6d: {  	_ =	shalt  }
0x6e: {  	_ =	shalt  }
0x6f: {  	_ =	shalt  }
0x70: {  	_ =	shalt  }
0x71: {  	_ =	shalt  }
0x72: {  	_ =	shalt  }
0x73: {  	_ =	shalt  }
0x74: {  	_ =	shalt  }
0x75: {  	_ =	shalt  }
0x76: {  	_ =	shalt  }
0x77: {  	_ =	shalt  }
0x78: {  	_ =	shalt  }
0x79: {  	_ =	shalt  }
0x7a: {  	_ =	shalt  }
0x7b: {  	_ =	shalt  }
0x7c: {  	_ =	shalt  }
0x7d: {  	_ =	shalt  }
0x7e: {  	_ =	shalt  }
0x7f: {  	_ =	shalt  }
0x80: {  	_ =	shalt  }
0x81: {  	_ =	shalt  }
0x82: {  	_ =	shalt  }
0x83: {  	_ =	shalt  }
0x84: {  	_ =	shalt  }
0x85: {  	_ =	shalt  }
0x86: {  	_ =	shalt  }
0x87: {  	_ =	shalt  }
.Lfunc_end0:
.L_simem_size_0:
called_computation_lowered:
.L_overlay_start_0:
0x88: {  	s2 =	sld [smem:$0x3FD9]  }
0x89: {  	s3 =	sld [smem:$0x3FFE];
	_ =	sdelay $0x1  }
0x8a: {  	s1 =	srdreg.scid  }
0x8b: {  	s0 =	sand.u32 $0x1, s1  }
0x8c: {  	s17 =	sshll.u32 s0, $0xA;
	s2 =	sadd.s32 s3, s2  }
0x8d: {  	s2 =	sadd.s32 s2, s17  }
0x8e: {  	[smem:$0x3FBD] =	sst s2  }
0x8f: {  	_ = 	snop  }
0x90: {  	s2 =	sld [smem:$0x3FC7];
	(tm) =	ssettm $0x1  }
0x91: {  	s18 =	sld [smem:$0x3FFB];
	_ =	sdelay $0x3  }
0x92: {  	_ =	strace s18  }
0x93: {  	s3 =	sld [smem:$0x3FFC];
	_ =	sdelay $0x3  }
0x94: {  	_ =	strace s3  }
0x95: {  	s3 =	sld [smem:$0x3FFD];
	_ =	sdelay $0x3  }
0x96: {  	_ =	strace s3  }
0x97: {  	_ =	strace $0x8FFFFFFF  }
0x98: {  	s19 =	sld [smem:$0x3FDB];
	_ =	sdelay $0x1  }
0x99: {  	s4 =	simm.s32 $_scs_section_size  }
0x9a: {  	s5 =	simm.s32 $_size__tile_overlayer_lowered;
	s6 =	simm.s32 $_tile_overlayer_lowered  }
0x9b: {  	s22 =	simm.s32 $0x1BFF;
	s21 =	sshll.u32 s6, $0x1;
	s3 =	sadd.s32 s4, s19  }
0x9c: {  	s7 =	simm.s32 $0x0;
	s20 =	sshll.u32 s5, $0x1;
	s5 =	sadd.s32 s21, s3  }
0x9d: {  	[timem:s7], [sflag:s22] =	dma.local [hbm:s5], s20  }
0x9e: {  	_ =	swait.ge [sflag:s22], s20  }
0x9f: {  	s4 =	ssub.s32 $0x0, s20;
	[sflag:s22] =	ssyncset.done $0x0  }
0xa0: {  	[sflag:s22] =	ssyncadd.s32 s4;
	_ =	sdelay $0x1  }
0xa1: {  	s23 =	simm.s32 $0x1B8B  }
0xa2: {  	_ =	swait.ge [sflag:s23], $0x1  }
0xa3: {  	[sflag:s23] =	ssyncset.done $0x0  }
0xa4: {  	s25 =	simm.s32 $0x1B8E;
	s24 =	sld [smem:$0x3FFE];
	[sflag:s23] =	ssyncadd.s32 $0xFFFFFFFF  }
0xa5: {  	s26 =	simm.s32 $execute0_lowered;
	[smem:$0x3FD2] =	sst s25  }
0xa6: {  	s5 =	sshll.u32 s26, $0x1;
	_ =	strace $0x80000046;
	[dreg:$0x1] =	wrdreg $0xFFFFFFFF  }
0xa7: {  	s28 =	simm.s32 $_size_execute0_lowered;
	s3 =	sadd.s32 s3, s5;
	[dreg:$0x0] =	wrdreg $0x0  }
0xa8: {  	s5 =	sshll.u32 s28, $0x1;
	[dreg:$0x2] =	wrdreg s3  }
0xa9: {  	[dreg:$0x3] =	wrdreg s5  }
0xaa: {  	[dreg:$0x4] =	wrdreg $0xC0  }
0xab: {  	_ =	task [dreg:s7], $0x5FFFF  }
0xac: {  	[dreg:$0x1] =	wrdreg $0xFFFFFFFF  }
0xad: {  	[dreg:$0x0] =	wrdreg $0x60  }
0xae: {  	[dreg:$0x2] =	wrdreg s24  }
0xaf: {  	[dreg:$0x3] =	wrdreg s2  }
0xb0: {  	[dreg:$0x4] =	wrdreg $0x88000  }
0xb1: {  	[dreg:$0x5] =	wrdreg $0x9  }
0xb2: {  	_ =	task.clear_ibuf [dreg:s7], $0x6FFFF;
	_ =	strace $0x90000046  }
0xb3: {  	s29 =	simm.s32 $0x9;
	_ =	strace $0x80000048  }
0xb4: {  	_ =	swait.ge [sflag:s29], $0x1  }
0xb5: {  	[sflag:s29] =	ssyncadd.s32 $0xFFFFFFFF  }
0xb6: {  	_ =	strace $0x90000048  }
0xb7: {  	_ =	sfence  }
0xb8: {  	s30 =	sld [smem:$0x0];
	_ =	sdelay $0x2  }
0xb9: {  	s31 =	sshll.u32 s1, $0xD;
	s1 =	sshrl.u32 s1, $0x2  }
0xba: {  	s3 =	sand.u32 $0x4000, s31;
	s1 =	sadd.s32 s1, s30  }
0xbb: {  	s0 =	sor.u32 s3, s0;
	s1 =	sshll.u32 s1, $0x11  }
0xbc: {  	s0 =	sor.u32 s1, s0  }
0xbd: {  	s0 =	sadd.s32 $0x8F2B, s0  }
0xbe: {  	[sflag:s0] =	ssyncadd.remote.s32 $0x1  }
0xbf: {  	_ =	sfence.sel $0xFFFF  }
0xc0: {  	[dreg:$0x0] =	wrdreg $0xFFFFFFFF;
	(pc) =	sbr.abs _section_cstart, $3  }
0xc1: {  	[dreg:$0x1] =	wrdreg $0xFFFFFFFF  }
0xc2: {  	_ =	task.clear_ibuf [dreg:s7], $0x2FFFF;
	_ =	strace $0x9FFFFFFF  }
0xc3: {  	(tm) =	ssettm $0x7FFFFFFF  }
tec
execute0_lowered:
.L_overlay_start_1:
0x0: {  	(tag) =	ssettag $0x1  }
0x1: {  	s4 =	rddreg [dreg:$0x0]  }
0x2: {  	s6 =	rddreg [dreg:$0x1]  }
0x3: {  	s2 =	rddreg [dreg:$0x2]  }
0x4: {  	s0 =	rddreg [dreg:$0x3];
	s5 =	srdreg.scid  }
0x5: {  	s3 =	simm.s32 $0x0;
	s1 =	stileid.u32;
	s15 =	simm.s32 $0x20  }
0x6: {  	s16 =	simm.s32 $0x10;
	s5 =	sand.u32 $0x1, s5;
	[smem:$0x7FF] =	sst s3  }
0x7: {  	s8 =	sshll.u32 s1, $0xB;
	s30 =	sshll.u32 s1, $0x9;
	s13 =	sshll.u32 s1, $0x6  }
0x8: {  	s7 =	sshll.u32 s5, $0xF;
	_ =	strace $0x80000047;
	s9 =	ssub.s32 $0x2, s5  }
0x9: {  	s5 =	sshll.u32 s5, $0x4;
	s13 =	sor.u32 $0x1C01, s13;
	s7 =	sor.u32 s8, s7  }
0xa: {  	s11 =	sshrl.u32 s9, $0x1;
	s12 =	sadd.s32 s5, s4;
	s10 =	sadd.s32 s7, s4  }
0xb: {  	s9 =	ssub.s32 s9, s11;
	s4 =	sadd.s32 s8, s2;
	s31 =	sadd.s32 s30, s12  }
0xc: {  	s6 =	sadd.s32 s6, s7;
	s11 =	simm.s32 $0x4000;
	s12 =	simm.s32 $0x80  }
0xd: {  	s5 =	sadd.s32 $0x2600, s10;
	s7 =	sadd.s32 $0x22600, s31;
	s8 =	smax.u32 s9, $0x1  }
0xe: {  	v0 =	vimm.f32 $0.0e+00;
	s9 =	simm.s32 $0x8000;
	s10 =	simm.s32 $0x1;
	s14 =	sshrl.u32 s4, $0x3  }
.LBB2_1:
0xf: {  	s17 =	simm.s32 $0x40;
	s18 =	simm.s32 $0x0  }
.LBB2_2:
0x10: {  	p0 =	sne.s32 s17, $0x1FC0;
	[tilespmem:s18+$0x8000] =	vst v0;
	s18 =	smov.u32 s17;
	s17 =	sadd.s32 $0x40, s17  }
.Ltmp0:
0x11: {  	(pc) =	sbr.rel @p0 .LBB2_2-.Ltmp0, $2  }
0x12: {  	_ =	sdelay $0x2  }
0x13: {  	s18 =	sshra.s32 s18, $0x2  }
0x14: {  	[tilespmem:s18+$0x8000] =	vst v0  }
0x15: {  	[spmem:s4] =	stream.linear.scatter [tilespmem:s9], [sflag:$0x1], $0x800, $0x38;
	[tilespmem:$0x9000] =	vst v63  }
0x16: {  	_ =	swait.ge [sflag:s10], $0x800  }
0x17: {  	[sflag:s10] =	ssyncset.done $0x0  }
0x18: {  	[sflag:s10] =	ssyncadd.s32 $0xFFFFF800  }
0x19: {  	s17 =	simm.s32 $0x0;
	[bflag:$0x0] =	sbarrier.arrive $0xFFFF  }
0x1a: {  	[tilespmem:s17], [sflag:$0x1] =	stream.linear.gather [hbm4b:s5+s17], $0x4000, $0x38;
	[tilespmem:$0x9000] =	vst v63  }
0x1b: {  	_ =	swait.ge [sflag:s10], $0x4000  }
0x1c: {  	[sflag:s10] =	ssyncset.done $0x0  }
0x1d: {  	[sflag:s10] =	ssyncadd.s32 $0xFFFFC000  }
0x1e: {  	[tilespmem:s11], [sflag:$0x1] =	stream.linear.gather [hbm4b:s6+s17], $0x4000, $0x38;
	[tilespmem:$0x9000] =	vst v63  }
0x1f: {  	_ =	swait.ge [sflag:s10], $0x4000  }
0x20: {  	[sflag:s10] =	ssyncset.done $0x0  }
0x21: {  	s30 =	simm.s32 $0x0;
	s31 =	simm.s32 $0x4000;
	[sflag:s10] =	ssyncadd.s32 $0xFFFFC000  }
0x22: {  	[spmem:s2] =	stream.indirect.scatter.add.f32 [tilespmem:s31], [sflag:$0x1], $0x1, s30, s12, $0xb8;
	[tilespmem:$0x9000] =	vst v63  }
0x23: {  	s17 =	simm.s32 $0x200;
	_ =	swait.ge [sflag:s10], $0x80  }
.LBB2_4:
0x24: {  	s18 =	sshra.s32 s17, $0x2;
	[sflag:s10] =	ssyncset.done $0x0;
	p0 =	sne.s32 s17, $0xFE00  }
.Ltmp1:
0x25: {  	s19 =	sadd.s32 $0x4000, s18;
	[sflag:s10] =	ssyncadd.s32 $0xFFFFFF80;
	(pc) =	sbr.rel @p0 .LBB2_4-.Ltmp1, $3  }
0x26: {  	[spmem:s2] =	stream.indirect.scatter.add.f32 [tilespmem:s19], [sflag:$0x1], $0x1, s18, s12, $0xb8;
	[tilespmem:$0x9000] =	vst v63  }
0x27: {  	s17 =	sadd.s32 $0x200, s17;
	_ =	sdelay $0x1  }
0x28: {  	_ =	swait.ge [sflag:s10], $0x80  }
0x29: {  	[sflag:s10] =	ssyncset.done $0x0;
	s3 =	sadd.s32 $0x1, s3  }
0x2a: {  	[sflag:s10] =	ssyncadd.s32 $0xFFFFFF80;
	p0 =	sne.s32 s3, s8  }
.Ltmp2:
0x2b: {  	[bflag:$0x0] =	sbarrier.arrive $0xFFFF;
	(pc) =	sbr.rel @p0 .LBB2_1-.Ltmp2, $4  }
0x2c: {  	[hbm:s7@s15], [sflag:s13] =	dma.strided [spmem:s14@s16], $0x100, s10, $0x10   }
0x2d: {  	_ =	swait.ge [sflag:s10], $0x100  }
0x2e: {  	[sflag:s10] =	ssyncset.done $0x0  }
0x2f: {  	[sflag:s10] =	ssyncadd.s32 $0xFFFFFF00  }
0x30: {  	_ =	sfence.sel $0x180000  }
0x31: {  	[bflag:$0x0] =	sbarrier.arrive $0xFFFF  }
0x32: {  	p0 =	sne.s32 s1, $0x0;
	_ =	strace $0x90000047  }
0x33: {  	s0 =	sadd.s32 @!p0 $0x100000, s0;
	[bflag:$0x2] =	sbarrier.arrive $0xFFFF  }
0x34: {  	[sflag:s0] =	ssyncadd.tile.s32 @!p0 $0x1;
	_ =	shalt  }
.Lfunc_end2:
_tile_overlayer_lowered:
.L_overlay_start_2:
0x35: {  	(tag) =	ssettag $0x2  }
0x36: {  	s0 =	rddreg [dreg:$0x0];
	s2 =	stileid.u32  }
0x37: {  	s1 =	rddreg [dreg:$0x1];
	p0 =	sne.s32 s2, $0x0  }
0x38: {  	s3 =	rddreg [dreg:$0x2];
	[bflag:$0x3] =	sbarrier.arrive $0xFFFF;
	s2 =	simm.s32 @!p0 $0x1C01  }
0x39: {  	[timem:s3], [sflag:s2] =	dma.local @!p0 [hbm:s0], s1  }
0x3a: {  	s0 =	simm.s32 @!p0 $0x1  }
0x3b: {  	_ =	swait.ge @!p0 [sflag:s0], s1  }
0x3c: {  	s1 =	ssub.s32 @!p0 $0x0, s1;
	[sflag:s0] =	ssyncset.done @!p0 $0x0  }
0x3d: {  	[sflag:s0] =	ssyncadd.s32 @!p0 s1  }
0x3e: {  	[bflag:$0x3] =	sbarrier.arrive $0xFFFF  }
0x3f: {  	_ =	shalt  }

// kernel: kernel.9.cloned.1.call-start
scs
__scs_entry_jumppad:
0x0: {  	(pc) =	sbr.rel $0x88, $3  }
0x1: {  	(tag) =	ssettag $0x0;
	lr =	simm.s32 $0x1  }
0x2: {  	[smem:$0x3F96] =	sst lr;
	_ =	strace $0xD0000000  }
0x3: {  	_ = 	snop  }
0x4: {  	_ = 	snop  }
0x5: {  	_ = 	snop  }
0x6: {  	_ = 	snop  }
0x7: {  	_ = 	snop  }
__scs_overlays_trampoline_lowered:
0x8: {  	[smem:$0x3FA5] =	sst s0  }
0x9: {  	[smem:$0x3FA6] =	sst s1  }
0xa: {  	[smem:$0x3FA7] =	sst s2  }
0xb: {  	[smem:$0x3FA8] =	sst s3  }
0xc: {  	[smem:$0x3FA9] =	sst s4  }
0xd: {  	[smem:$0x3FAA] =	sst s5  }
0xe: {  	[smem:$0x3FAB] =	sst s6  }
0xf: {  	[smem:$0x3FAC] =	sst s7  }
0x10: {  	[smem:$0x3FAD] =	sst s8  }
0x11: {  	[smem:$0x3FAE] =	sst s9;
	s0 =	simm.s32 @!p0 $0x0  }
0x12: {  	s1 =	sld [smem:$0x3F94];
	s0 =	simm.s32 @p0 $0x1  }
0x13: {  	[smem:$0x3FAF] =	sst s0;
	s0 =	simm.s32 @!p1 $0x0  }
0x14: {  	s2 =	sld [smem:$0x3F93];
	s0 =	simm.s32 @p1 $0x1  }
0x15: {  	[smem:$0x3FB0] =	sst s0;
	s0 =	simm.s32 @!p2 $0x0  }
0x16: {  	s3 =	sld [smem:$0x3FDB];
	s0 =	simm.s32 @p2 $0x1  }
0x17: {  	s4 =	simm.s32 $0x1BF5;
	[smem:$0x3FB2] =	sst s0  }
0x18: {  	s0 =	sld [smem:$0x3F95];
	_ =	swait.ge [sflag:s4], $0x0  }
0x19: {  	s7 =	sld [smem:$0x3F96]  }
0x1a: {  	s8 =	sadd.s32 $0xFFFFE003, lr  }
0x1b: {  	s9 =	sadd.s32 $0xFFFFFEF7, lr;
	s5 =	simm.s32 $0xFFFFFFFF;
	p2 =	slt.u32 s8, $0xFFFFF086  }
0x1c: {  	p1 =	slt.u32 s9, $0xF7A;
	s5 =	simm.s32 @!p2 $0x0  }
0x1d: {  	s5 =	simm.s32 @p1 $0x1;
	p0 =	seq.s32 s7, s2  }
0x1e: {  	s7 =	smul.u32 @!p0 $0xF7A, s2;
	p2 =	seq.s32 @!p0 s5, $0x0  }
0x1f: {  	s9 =	smul.u32 $0xF7A, s1;
	s8 =	simm.s32 @!p0 $0x1BF5;
	p2 =	por !p2, p0  }
0x20: {  	[sflag:s8] =	ssyncset.s32 @!p0 $0xFFFFF086;
	s6 =	sadd.s32 @!p0 s3, s7;
	s7 =	simm.s32 @!p0 $0x108  }
0x21: {  	s3 =	sadd.s32 s3, s9;
	s6 =	sadd.s32 @!p0 $0x88, s6;
	s7 =	simm.s32 @p2 $0x1082  }
0x22: {  	[simem:s7], [sflag:s8] =	dma.local @!p0 [hbm:s6], $0xF7A  }
0x23: {  	s9 =	sor.u32 $0xD0000000, s2;
	s6 =	simm.s32 $0x108;
	_ =	swait.ge @!p0 [sflag:s8], $0x0  }
0x24: {  	s3 =	sadd.s32 $0x88, s3;
	s6 =	simm.s32 @!p1 $0x1082;
	[sflag:s4] =	ssyncset.s32 $0xFFFFF086  }
0x25: {  	[simem:s6], [sflag:s4] =	dma.local [hbm:s3], $0xF7A  }
0x26: {  	[smem:$0x3F96] =	sst s1;
	(tag) =	ssettag s2;
	_ =	strace s9  }
0x27: {  	s1 =	sld [smem:$0x3FA6]  }
0x28: {  	s2 =	sld [smem:$0x3FA7]  }
0x29: {  	s4 =	sld [smem:$0x3FA9]  }
0x2a: {  	p0 =	seq.s32 s5, $0x0;
	s5 =	sld [smem:$0x3FAA]  }
0x2b: {  	s6 =	sld [smem:$0x3FAB]  }
0x2c: {  	s7 =	sld [smem:$0x3FAC]  }
0x2d: {  	s3 =	simm.s32 $0x108;
	s8 =	sld [smem:$0x3FAD]  }
0x2e: {  	s3 =	simm.s32 @!p0 $0x1082;
	s9 =	sld [smem:$0x3FAE]  }
0x2f: {  	lr =	sadd.s32 s0, s3;
	s0 =	sld [smem:$0x3FA5]  }
0x30: {  	s3 =	sld [smem:$0x3FA8]  }
0x31: {  	[smem:$0x3FB1] =	sst s10  }
0x32: {  	s10 =	sld [smem:$0x3FAF];
	_ =	sdelay $0x3  }
0x33: {  	p0 =	seq.s32 s10, $0x1;
	s10 =	sld [smem:$0x3FB1];
	_ =	sdelay $0x3  }
0x34: {  	[smem:$0x3FB1] =	sst s10  }
0x35: {  	s10 =	sld [smem:$0x3FB0];
	_ =	sdelay $0x3  }
0x36: {  	p1 =	seq.s32 s10, $0x1;
	s10 =	sld [smem:$0x3FB1];
	_ =	sdelay $0x3  }
0x37: {  	[smem:$0x3FB1] =	sst s10  }
0x38: {  	s10 =	sld [smem:$0x3FB2]  }
0x39: {  	_ = 	snop;
	(pc) =	sbr.ind lr, $3  }
0x3a: {  	_ = 	snop  }
0x3b: {  	_ = 	snop  }
0x3c: {  	p2 =	seq.s32 s10, $0x1;
	s10 =	sld [smem:$0x3FB1]  }
0x3d: {  	_ =	shalt  }
0x3e: {  	_ =	shalt  }
0x3f: {  	_ =	shalt  }
0x40: {  	_ =	shalt  }
0x41: {  	_ =	shalt  }
0x42: {  	_ =	shalt  }
0x43: {  	_ =	shalt  }
0x44: {  	_ =	shalt  }
0x45: {  	_ =	shalt  }
0x46: {  	_ =	shalt  }
0x47: {  	_ =	shalt  }
0x48: {  	_ =	shalt  }
0x49: {  	_ =	shalt  }
0x4a: {  	_ =	shalt  }
0x4b: {  	_ =	shalt  }
0x4c: {  	_ =	shalt  }
0x4d: {  	_ =	shalt  }
0x4e: {  	_ =	shalt  }
0x4f: {  	_ =	shalt  }
0x50: {  	_ =	shalt  }
0x51: {  	_ =	shalt  }
0x52: {  	_ =	shalt  }
0x53: {  	_ =	shalt  }
0x54: {  	_ =	shalt  }
0x55: {  	_ =	shalt  }
0x56: {  	_ =	shalt  }
0x57: {  	_ =	shalt  }
0x58: {  	_ =	shalt  }
0x59: {  	_ =	shalt  }
0x5a: {  	_ =	shalt  }
0x5b: {  	_ =	shalt  }
0x5c: {  	_ =	shalt  }
0x5d: {  	_ =	shalt  }
0x5e: {  	_ =	shalt  }
0x5f: {  	_ =	shalt  }
0x60: {  	_ =	shalt  }
0x61: {  	_ =	shalt  }
0x62: {  	_ =	shalt  }
0x63: {  	_ =	shalt  }
0x64: {  	_ =	shalt  }
0x65: {  	_ =	shalt  }
0x66: {  	_ =	shalt  }
0x67: {  	_ =	shalt  }
0x68: {  	_ =	shalt  }
0x69: {  	_ =	shalt  }
0x6a: {  	_ =	shalt  }
0x6b: {  	_ =	shalt  }
0x6c: {  	_ =	shalt  }
0x6d: {  	_ =	shalt  }
0x6e: {  	_ =	shalt  }
0x6f: {  	_ =	shalt  }
0x70: {  	_ =	shalt  }
0x71: {  	_ =	shalt  }
0x72: {  	_ =	shalt  }
0x73: {  	_ =	shalt  }
0x74: {  	_ =	shalt  }
0x75: {  	_ =	shalt  }
0x76: {  	_ =	shalt  }
0x77: {  	_ =	shalt  }
0x78: {  	_ =	shalt  }
0x79: {  	_ =	shalt  }
0x7a: {  	_ =	shalt  }
0x7b: {  	_ =	shalt  }
0x7c: {  	_ =	shalt  }
0x7d: {  	_ =	shalt  }
0x7e: {  	_ =	shalt  }
0x7f: {  	_ =	shalt  }
0x80: {  	_ =	shalt  }
0x81: {  	_ =	shalt  }
0x82: {  	_ =	shalt  }
0x83: {  	_ =	shalt  }
0x84: {  	_ =	shalt  }
0x85: {  	_ =	shalt  }
0x86: {  	_ =	shalt  }
0x87: {  	_ =	shalt  }
.Lfunc_end0:
.L_simem_size_0:
called_computation.1_lowered:
.L_overlay_start_0:
0x88: {  	s2 =	sld [smem:$0x3FD9]  }
0x89: {  	s3 =	sld [smem:$0x3FFE];
	_ =	sdelay $0x1  }
0x8a: {  	s1 =	srdreg.scid  }
0x8b: {  	s0 =	sand.u32 $0x1, s1  }
0x8c: {  	s17 =	sshll.u32 s0, $0xA;
	s2 =	sadd.s32 s3, s2  }
0x8d: {  	s2 =	sadd.s32 s2, s17  }
0x8e: {  	[smem:$0x3FBD] =	sst s2  }
0x8f: {  	_ = 	snop  }
0x90: {  	s2 =	sld [smem:$0x3FC7];
	(tm) =	ssettm $0x1  }
0x91: {  	s18 =	sld [smem:$0x3FFB];
	_ =	sdelay $0x3  }
0x92: {  	_ =	strace s18  }
0x93: {  	s3 =	sld [smem:$0x3FFC];
	_ =	sdelay $0x3  }
0x94: {  	_ =	strace s3  }
0x95: {  	s3 =	sld [smem:$0x3FFD];
	_ =	sdelay $0x3  }
0x96: {  	_ =	strace s3  }
0x97: {  	_ =	strace $0x8FFFFFFF  }
0x98: {  	s19 =	sld [smem:$0x3FDB];
	_ =	sdelay $0x1  }
0x99: {  	s4 =	simm.s32 $_scs_section_size  }
0x9a: {  	s5 =	simm.s32 $_size__tile_overlayer_lowered;
	s6 =	simm.s32 $_tile_overlayer_lowered  }
0x9b: {  	s22 =	simm.s32 $0x1BFF;
	s21 =	sshll.u32 s6, $0x1;
	s3 =	sadd.s32 s4, s19  }
0x9c: {  	s7 =	simm.s32 $0x0;
	s20 =	sshll.u32 s5, $0x1;
	s5 =	sadd.s32 s21, s3  }
0x9d: {  	[timem:s7], [sflag:s22] =	dma.local [hbm:s5], s20  }
0x9e: {  	_ =	swait.ge [sflag:s22], s20  }
0x9f: {  	s4 =	ssub.s32 $0x0, s20;
	[sflag:s22] =	ssyncset.done $0x0  }
0xa0: {  	[sflag:s22] =	ssyncadd.s32 s4;
	_ =	sdelay $0x1  }
0xa1: {  	s23 =	simm.s32 $0x1B8B  }
0xa2: {  	_ =	swait.ge [sflag:s23], $0x1  }
0xa3: {  	[sflag:s23] =	ssyncset.done $0x0  }
0xa4: {  	s25 =	simm.s32 $0x1B8E;
	s24 =	sld [smem:$0x3FFE];
	[sflag:s23] =	ssyncadd.s32 $0xFFFFFFFF  }
0xa5: {  	s26 =	simm.s32 $execute0_lowered;
	[smem:$0x3FD2] =	sst s25  }
0xa6: {  	s5 =	sshll.u32 s26, $0x1;
	_ =	strace $0x80000049;
	[dreg:$0x1] =	wrdreg $0xFFFFFFFF  }
0xa7: {  	s28 =	simm.s32 $_size_execute0_lowered;
	s3 =	sadd.s32 s3, s5;
	[dreg:$0x0] =	wrdreg $0x0  }
0xa8: {  	s5 =	sshll.u32 s28, $0x1;
	[dreg:$0x2] =	wrdreg s3  }
0xa9: {  	[dreg:$0x3] =	wrdreg s5  }
0xaa: {  	[dreg:$0x4] =	wrdreg $0xC0  }
0xab: {  	_ =	task [dreg:s7], $0x5FFFF  }
0xac: {  	[dreg:$0x1] =	wrdreg $0xFFFFFFFF  }
0xad: {  	[dreg:$0x0] =	wrdreg $0x60  }
0xae: {  	[dreg:$0x2] =	wrdreg s24  }
0xaf: {  	[dreg:$0x3] =	wrdreg s2  }
0xb0: {  	[dreg:$0x4] =	wrdreg $0x88000  }
0xb1: {  	[dreg:$0x5] =	wrdreg $0x9  }
0xb2: {  	_ =	task.clear_ibuf [dreg:s7], $0x6FFFF;
	_ =	strace $0x90000049  }
0xb3: {  	s29 =	simm.s32 $0x9;
	_ =	strace $0x8000004B  }
0xb4: {  	_ =	swait.ge [sflag:s29], $0x1  }
0xb5: {  	[sflag:s29] =	ssyncadd.s32 $0xFFFFFFFF  }
0xb6: {  	_ =	strace $0x9000004B  }
0xb7: {  	_ =	sfence  }
0xb8: {  	s30 =	sld [smem:$0x0];
	_ =	sdelay $0x2  }
0xb9: {  	s31 =	sshll.u32 s1, $0xD;
	s1 =	sshrl.u32 s1, $0x2  }
0xba: {  	s3 =	sand.u32 $0x4000, s31;
	s1 =	sadd.s32 s1, s30  }
0xbb: {  	s0 =	sor.u32 s3, s0;
	s1 =	sshll.u32 s1, $0x11  }
0xbc: {  	s0 =	sor.u32 s1, s0  }
0xbd: {  	s0 =	sadd.s32 $0x8F2B, s0  }
0xbe: {  	[sflag:s0] =	ssyncadd.remote.s32 $0x1  }
0xbf: {  	_ =	sfence.sel $0xFFFF  }
0xc0: {  	[dreg:$0x0] =	wrdreg $0xFFFFFFFF;
	(pc) =	sbr.abs _section_cstart, $3  }
0xc1: {  	[dreg:$0x1] =	wrdreg $0xFFFFFFFF  }
0xc2: {  	_ =	task.clear_ibuf [dreg:s7], $0x2FFFF;
	_ =	strace $0x9FFFFFFF  }
0xc3: {  	(tm) =	ssettm $0x7FFFFFFF  }
tec
execute0_lowered:
.L_overlay_start_1:
0x0: {  	(tag) =	ssettag $0x1  }
0x1: {  	s0 =	rddreg [dreg:$0x0]  }
0x2: {  	s1 =	rddreg [dreg:$0x1]  }
0x3: {  	s2 =	rddreg [dreg:$0x2];
	s3 =	simm.s32 $0x0  }
0x4: {  	s5 =	srdreg.scid;
	s15 =	simm.s32 $0x8000;
	s16 =	simm.s32 $0x5  }
0x5: {  	s17 =	simm.s32 $0x2000;
	s18 =	simm.s32 $0x4000;
	s19 =	simm.s32 $0x80  }
0x6: {  	s20 =	simm.s32 $0x6000;
	s21 =	simm.s32 $0x1;
	s22 =	simm.s32 $0x7000  }
0x7: {  	s23 =	simm.s32 $0x2;
	s24 =	simm.s32 $0x3;
	s25 =	simm.s32 $0x100  }
0x8: {  	s26 =	simm.s32 $0x2080;
	s28 =	simm.s32 $0x4;
	s29 =	simm.s32 $0x0  }
0x9: {  	[smem:$0x7FF] =	sst s3;
	s4 =	sadd.s32 $0x12600, s0;
	s6 =	sadd.s32 $0x2600, s0  }
0xa: {  	s7 =	sadd.s32 $0x142600, s0;
	s9 =	sand.u32 $0x1, s5;
	s8 =	sadd.s32 $0x122600, s0  }
.Ltmp0:
0xb: {  	s5 =	stileid.u32;
	s10 =	sadd.s32 $0x182600, s0;
	(pc) =	sbr.rel .LBB2_1-.Ltmp0, $4  }
0xc: {  	_ =	strace $0x8000004A;
	s11 =	ssub.s32 $0x2, s9;
	[dreg:$0x4] =	wrdreg s10  }
0xd: {  	s13 =	sshll.u32 s5, $0x10;
	s10 =	sadd.s32 $0x162600, s0;
	s12 =	sshrl.u32 s11, $0x1  }
0xe: {  	p0 =	sne.s32 s9, $0x0;
	s31 =	ssub.s32 s11, s12;
	s11 =	sadd.s32 s13, s2  }
0xf: {  	v0 =	vimm.f32 $0.0e+00;
	s12 =	sshll.u32 s5, $0xC;
	s13 =	sshll.u32 s5, $0xD;
	s14 =	smax.u32 s31, $0x1  }
.LBB2_15:
0x10: {  	s0 =	smov.u32 s10  }
.LBB2_16:
0x11: {  	s0 =	sadd.s32 s0, s13;
	s29 =	sadd.s32 $0x1, s29  }
0x12: {  	s9 =	sshll.u32 s5, $0x6;
	[bflag:$0x0] =	sbarrier.arrive $0xFFFF;
	p1 =	sne.s32 s29, s14  }
.Ltmp1:
0x13: {  	s30 =	sshrl.u32 s11, $0x3;
	s9 =	sor.u32 $0x1C05, s9;
	(pc) =	sbr.rel @!p1 .LBB2_17-.Ltmp1, $4  }
0x14: {  	[hbm:s0], [sflag:s9] =	dma.local [spmem:s30], $0x2000  }
0x15: {  	_ =	swait.ge [sflag:s16], $0x2000  }
0x16: {  	[sflag:s16] =	ssyncset.done $0x0  }
0x17: {  	[sflag:s16] =	ssyncadd.s32 $0xFFFFE000  }
.LBB2_1:
0x18: {  	s0 =	simm.s32 $0x0;
	s30 =	simm.s32 $0x0  }
.LBB2_2:
0x19: {  	p1 =	sne.s32 s30, $0x1FC0  }
.Ltmp2:
0x1a: {  	_ = 	snop;
	(pc) =	sbr.rel @p1 .LBB2_2-.Ltmp2, $4  }
0x1b: {  	s9 =	sand.u32 $0x1F80, s30  }
0x1c: {  	s31 =	sand.u32 $0x10, s0;
	s9 =	sshrl.u32 s9, $0x2  }
0x1d: {  	s9 =	sor.u32 s31, s9  }
0x1e: {  	s0 =	sadd.s32 $0x10, s0;
	s30 =	sadd.s32 $0x40, s30;
	[tilespmem:s9+$0x8000] =	vst v0  }
0x1f: {  	s0 =	sadd.s32 $0x0, s11  }
0x20: {  	[spmem:s0] =	stream.linear.scatter [tilespmem:s15], [sflag:$0x5], $0x800, $0x38;
	[tilespmem:$0x18800] =	vst v63  }
0x21: {  	s30 =	simm.s32 $0x2000;
	_ =	swait.ge [sflag:s16], $0x800  }
.LBB2_4:
0x22: {  	s0 =	sshra.s32 s30, $0x2;
	[sflag:s16] =	ssyncset.done $0x0;
	p1 =	sne.s32 s30, $0x3E000  }
.Ltmp3:
0x23: {  	s0 =	sadd.s32 s0, s11;
	[sflag:s16] =	ssyncadd.s32 $0xFFFFF800;
	(pc) =	sbr.rel @p1 .LBB2_4-.Ltmp3, $3  }
0x24: {  	[spmem:s0] =	stream.linear.scatter [tilespmem:s15], [sflag:$0x5], $0x800, $0x38;
	[tilespmem:$0x18800] =	vst v63  }
0x25: {  	s30 =	sadd.s32 $0x2000, s30;
	_ =	sdelay $0x1  }
0x26: {  	_ =	swait.ge [sflag:s16], $0x800  }
.Ltmp4:
0x27: {  	(pc) =	sbr.rel @p0 .LBB2_11-.Ltmp4, $4  }
.Ltmp5:
0x28: {  	[sflag:s16] =	ssyncset.done $0x0;
	(pc) =	sbr.rel @!p0 .LBB2_6-.Ltmp5, $4  }
0x29: {  	[sflag:s16] =	ssyncadd.s32 $0xFFFFF800  }
0x2a: {  	[bflag:$0x0] =	sbarrier.arrive $0xFFFF  }
0x2b: {  	s30 =	simm.s32 $0x0  }
0x2c: {  	_ = 	snop  }
.LBB2_9:
0x2d: {  	[spmem:s2] =	stream.indirect.scatter.add.f32 [tilespmem:s22], [sflag:$0x4], $0x20, s9, s19, $0xb8;
	[tilespmem:$0x18800] =	vst v63  }
0x2e: {  	s30 =	sadd.s32 $0x1, s30  }
0x2f: {  	_ =	swait.ge [sflag:s24], $0x1000;
	p1 =	seq.s32 s30, $0x4  }
.Ltmp6:
0x30: {  	[sflag:s24] =	ssyncset.done $0x0;
	(pc) =	sbr.rel @p1 .LBB2_10-.Ltmp6, $4  }
0x31: {  	[sflag:s24] =	ssyncadd.s32 $0xFFFFF000  }
0x32: {  	_ =	swait.ge [sflag:s28], $0x1000  }
0x33: {  	[sflag:s28] =	ssyncset.done $0x0  }
0x34: {  	[sflag:s28] =	ssyncadd.s32 $0xFFFFF000  }
.LBB2_6:
0x35: {  	s0 =	sshll.u32 s30, $0xA  }
0x36: {  	s0 =	sadd.s32 s12, s0  }
0x37: {  	s9 =	sadd.s32 s4, s0  }
0x38: {  	[tilespmem:s3], [sflag:$0x5] =	stream.linear.gather [hbm4b:s9+s3], $0x2000, $0x38;
	[tilespmem:$0x18800] =	vst v63  }
0x39: {  	_ =	swait.ge [sflag:s16], $0x2000  }
0x3a: {  	[sflag:s16] =	ssyncset.done $0x0  }
0x3b: {  	s9 =	sadd.s32 s6, s0;
	[sflag:s16] =	ssyncadd.s32 $0xFFFFE000  }
0x3c: {  	[tilespmem:s17], [sflag:$0x5] =	stream.linear.gather [hbm4b:s9+s3], $0x2000, $0x38;
	[tilespmem:$0x18800] =	vst v63  }
0x3d: {  	_ =	swait.ge [sflag:s16], $0x2000  }
0x3e: {  	[sflag:s16] =	ssyncset.done $0x0  }
0x3f: {  	s0 =	sadd.s32 s1, s0;
	[sflag:s16] =	ssyncadd.s32 $0xFFFFE000  }
0x40: {  	[tilespmem:s18], [sflag:$0x5] =	stream.linear.gather [hbm4b:s0+s3], $0x2000, $0x38;
	[tilespmem:$0x18800] =	vst v63  }
0x41: {  	_ =	swait.ge [sflag:s16], $0x2000  }
0x42: {  	[sflag:s16] =	ssyncset.done $0x0  }
0x43: {  	[sflag:s16] =	ssyncadd.s32 $0xFFFFE000  }
0x44: {  	[tilespmem:s20], [sflag:$0x1] =	stream.indirect.gather [hbm4b:s7+s19], $0x20, s3, s19, $0xb8;
	[tilespmem:$0x18800] =	vst v63  }
0x45: {  	_ =	swait.ge [sflag:s21], $0x1000  }
0x46: {  	[sflag:s21] =	ssyncset.done $0x0  }
0x47: {  	[sflag:s21] =	ssyncadd.s32 $0xFFFFF000  }
0x48: {  	[tilespmem:s22], [sflag:$0x2] =	stream.indirect.gather [hbm4b:s7+s19], $0x20, s19, s19, $0xb8;
	[tilespmem:$0x18800] =	vst v63  }
0x49: {  	_ = 	snop  }
0x4a: {  	[spmem:s2] =	stream.indirect.scatter.add.f32 [tilespmem:s20], [sflag:$0x3], $0x20, s17, s19, $0xb8;
	[tilespmem:$0x18800] =	vst v63  }
0x4b: {  	_ =	swait.ge [sflag:s23], $0x1000  }
0x4c: {  	[sflag:s23] =	ssyncset.done $0x0  }
0x4d: {  	[sflag:s23] =	ssyncadd.s32 $0xFFFFF000  }
0x4e: {  	_ =	swait.ge [sflag:s24], $0x1000  }
0x4f: {  	[sflag:s24] =	ssyncset.done $0x0  }
0x50: {  	[sflag:s24] =	ssyncadd.s32 $0xFFFFF000  }
0x51: {  	[tilespmem:s20], [sflag:$0x1] =	stream.indirect.gather [hbm4b:s7+s19], $0x20, s25, s19, $0xb8;
	[tilespmem:$0x18800] =	vst v63  }
0x52: {  	s31 =	simm.s32 $0xFFFF8800  }
0x53: {  	[spmem:s2] =	stream.indirect.scatter.add.f32 [tilespmem:s22], [sflag:$0x4], $0x20, s26, s19, $0xb8;
	[tilespmem:$0x18800] =	vst v63  }
.LBB2_7:
0x54: {  	_ =	swait.ge [sflag:s21], $0x1000  }
0x55: {  	[sflag:s21] =	ssyncset.done $0x0  }
0x56: {  	[sflag:s21] =	ssyncadd.s32 $0xFFFFF000  }
0x57: {  	_ =	swait.ge [sflag:s28], $0x1000  }
0x58: {  	s0 =	sshra.s32 s31, $0x2;
	[sflag:s28] =	ssyncset.done $0x0  }
0x59: {  	p1 =	seq.s32 s31, $0x0;
	s9 =	sadd.s32 $0x1F80, s0;
	[sflag:s28] =	ssyncadd.s32 $0xFFFFF000  }
0x5a: {  	[tilespmem:s22], [sflag:$0x2] =	stream.indirect.gather [hbm4b:s7+s19], $0x20, s9, s19, $0xb8;
	[tilespmem:$0x18800] =	vst v63  }
.Ltmp7:
0x5b: {  	s9 =	sadd.s32 $0x3F00, s0;
	(pc) =	sbr.rel @p1 .LBB2_9-.Ltmp7, $4  }
0x5c: {  	[spmem:s2] =	stream.indirect.scatter.add.f32 [tilespmem:s20], [sflag:$0x3], $0x20, s9, s19, $0xb8;
	[tilespmem:$0x18800] =	vst v63  }
0x5d: {  	_ =	swait.ge [sflag:s23], $0x1000  }
0x5e: {  	[sflag:s23] =	ssyncset.done $0x0  }
0x5f: {  	s9 =	sadd.s32 $0x3F80, s0;
	[sflag:s23] =	ssyncadd.s32 $0xFFFFF000  }
0x60: {  	_ =	swait.ge [sflag:s24], $0x1000  }
.Ltmp8:
0x61: {  	[sflag:s24] =	ssyncset.done $0x0;
	(pc) =	sbr.rel .LBB2_7-.Ltmp8, $4  }
0x62: {  	s0 =	sadd.s32 $0x2000, s0;
	[sflag:s24] =	ssyncadd.s32 $0xFFFFF000  }
0x63: {  	[tilespmem:s20], [sflag:$0x1] =	stream.indirect.gather [hbm4b:s7+s19], $0x20, s0, s19, $0xb8;
	[tilespmem:$0x18800] =	vst v63  }
0x64: {  	s31 =	sadd.s32 $0x400, s31  }
0x65: {  	[spmem:s2] =	stream.indirect.scatter.add.f32 [tilespmem:s22], [sflag:$0x4], $0x20, s9, s19, $0xb8;
	[tilespmem:$0x18800] =	vst v63  }
.LBB2_14:
0x66: {  	[spmem:s2] =	stream.indirect.scatter.add.f32 [tilespmem:s22], [sflag:$0x4], $0x20, s9, s19, $0xb8;
	[tilespmem:$0x18800] =	vst v63  }
0x67: {  	s30 =	sadd.s32 $0x1, s30  }
0x68: {  	_ =	swait.ge [sflag:s24], $0x1000;
	p1 =	sne.s32 s30, $0x4  }
.Ltmp9:
0x69: {  	[sflag:s24] =	ssyncset.done $0x0;
	(pc) =	sbr.rel @!p1 .LBB2_15-.Ltmp9, $4  }
0x6a: {  	[sflag:s24] =	ssyncadd.s32 $0xFFFFF000  }
0x6b: {  	_ =	swait.ge [sflag:s28], $0x1000  }
0x6c: {  	[sflag:s28] =	ssyncset.done $0x0  }
0x6d: {  	[sflag:s28] =	ssyncadd.s32 $0xFFFFF000  }
.LBB2_11:
0x6e: {  	s0 =	sshll.u32 s30, $0xA  }
0x6f: {  	s0 =	sadd.s32 s12, s0  }
0x70: {  	s9 =	sadd.s32 s4, s0  }
0x71: {  	[tilespmem:s3], [sflag:$0x5] =	stream.linear.gather [hbm4b:s9+s3], $0x2000, $0x38;
	[tilespmem:$0x18800] =	vst v63  }
0x72: {  	_ =	swait.ge [sflag:s16], $0x2000  }
0x73: {  	[sflag:s16] =	ssyncset.done $0x0  }
0x74: {  	s9 =	sadd.s32 s6, s0;
	[sflag:s16] =	ssyncadd.s32 $0xFFFFE000  }
0x75: {  	[tilespmem:s17], [sflag:$0x5] =	stream.linear.gather [hbm4b:s9+s3], $0x2000, $0x38;
	[tilespmem:$0x18800] =	vst v63  }
0x76: {  	_ =	swait.ge [sflag:s16], $0x2000  }
0x77: {  	[sflag:s16] =	ssyncset.done $0x0  }
0x78: {  	s0 =	sadd.s32 s1, s0;
	[sflag:s16] =	ssyncadd.s32 $0xFFFFE000  }
0x79: {  	[tilespmem:s18], [sflag:$0x5] =	stream.linear.gather [hbm4b:s0+s3], $0x2000, $0x38;
	[tilespmem:$0x18800] =	vst v63  }
0x7a: {  	_ =	swait.ge [sflag:s16], $0x2000  }
0x7b: {  	[sflag:s16] =	ssyncset.done $0x0  }
0x7c: {  	[sflag:s16] =	ssyncadd.s32 $0xFFFFE000  }
0x7d: {  	[tilespmem:s20], [sflag:$0x1] =	stream.indirect.gather [hbm4b:s8+s19], $0x20, s3, s19, $0xb8;
	[tilespmem:$0x18800] =	vst v63  }
0x7e: {  	_ =	swait.ge [sflag:s21], $0x1000  }
0x7f: {  	[sflag:s21] =	ssyncset.done $0x0  }
0x80: {  	[sflag:s21] =	ssyncadd.s32 $0xFFFFF000  }
0x81: {  	[tilespmem:s22], [sflag:$0x2] =	stream.indirect.gather [hbm4b:s8+s19], $0x20, s19, s19, $0xb8;
	[tilespmem:$0x18800] =	vst v63  }
0x82: {  	_ = 	snop  }
0x83: {  	[spmem:s2] =	stream.indirect.scatter.add.f32 [tilespmem:s20], [sflag:$0x3], $0x20, s17, s19, $0xb8;
	[tilespmem:$0x18800] =	vst v63  }
0x84: {  	_ =	swait.ge [sflag:s23], $0x1000  }
0x85: {  	[sflag:s23] =	ssyncset.done $0x0  }
0x86: {  	[sflag:s23] =	ssyncadd.s32 $0xFFFFF000  }
0x87: {  	_ =	swait.ge [sflag:s24], $0x1000  }
0x88: {  	[sflag:s24] =	ssyncset.done $0x0  }
0x89: {  	[sflag:s24] =	ssyncadd.s32 $0xFFFFF000  }
0x8a: {  	[tilespmem:s20], [sflag:$0x1] =	stream.indirect.gather [hbm4b:s8+s19], $0x20, s25, s19, $0xb8;
	[tilespmem:$0x18800] =	vst v63  }
0x8b: {  	s31 =	simm.s32 $0xFFFF8800  }
0x8c: {  	[spmem:s2] =	stream.indirect.scatter.add.f32 [tilespmem:s22], [sflag:$0x4], $0x20, s26, s19, $0xb8;
	[tilespmem:$0x18800] =	vst v63  }
.LBB2_12:
0x8d: {  	_ =	swait.ge [sflag:s21], $0x1000  }
0x8e: {  	[sflag:s21] =	ssyncset.done $0x0  }
0x8f: {  	[sflag:s21] =	ssyncadd.s32 $0xFFFFF000  }
0x90: {  	_ =	swait.ge [sflag:s28], $0x1000  }
0x91: {  	s0 =	sshra.s32 s31, $0x2;
	[sflag:s28] =	ssyncset.done $0x0  }
0x92: {  	p1 =	seq.s32 s31, $0x0;
	s9 =	sadd.s32 $0x1F80, s0;
	[sflag:s28] =	ssyncadd.s32 $0xFFFFF000  }
0x93: {  	[tilespmem:s22], [sflag:$0x2] =	stream.indirect.gather [hbm4b:s8+s19], $0x20, s9, s19, $0xb8;
	[tilespmem:$0x18800] =	vst v63  }
.Ltmp10:
0x94: {  	s9 =	sadd.s32 $0x3F00, s0;
	(pc) =	sbr.rel @p1 .LBB2_14-.Ltmp10, $4  }
0x95: {  	[spmem:s2] =	stream.indirect.scatter.add.f32 [tilespmem:s20], [sflag:$0x3], $0x20, s9, s19, $0xb8;
	[tilespmem:$0x18800] =	vst v63  }
0x96: {  	_ =	swait.ge [sflag:s23], $0x1000  }
0x97: {  	[sflag:s23] =	ssyncset.done $0x0  }
0x98: {  	s9 =	sadd.s32 $0x3F80, s0;
	[sflag:s23] =	ssyncadd.s32 $0xFFFFF000  }
0x99: {  	_ =	swait.ge [sflag:s24], $0x1000  }
.Ltmp11:
0x9a: {  	[sflag:s24] =	ssyncset.done $0x0;
	(pc) =	sbr.rel .LBB2_12-.Ltmp11, $4  }
0x9b: {  	s0 =	sadd.s32 $0x2000, s0;
	[sflag:s24] =	ssyncadd.s32 $0xFFFFF000  }
0x9c: {  	[tilespmem:s20], [sflag:$0x1] =	stream.indirect.gather [hbm4b:s8+s19], $0x20, s0, s19, $0xb8;
	[tilespmem:$0x18800] =	vst v63  }
0x9d: {  	s31 =	sadd.s32 $0x400, s31  }
0x9e: {  	[spmem:s2] =	stream.indirect.scatter.add.f32 [tilespmem:s22], [sflag:$0x4], $0x20, s9, s19, $0xb8;
	[tilespmem:$0x18800] =	vst v63  }
.LBB2_10:
.Ltmp12:
0x9f: {  	(pc) =	sbr.rel .LBB2_16-.Ltmp12, $2  }
0xa0: {  	_ =	sdelay $0x2  }
0xa1: {  	s0 =	rddreg [dreg:$0x4]  }
.LBB2_17:
0xa2: {  	_ =	sfence.sel $0x180000  }
0xa3: {  	[bflag:$0x0] =	sbarrier.arrive $0xFFFF  }
0xa4: {  	_ =	strace $0x9000004A  }
0xa5: {  	[bflag:$0x2] =	sbarrier.arrive $0xFFFF  }
0xa6: {  	p0 =	sne.s32 s5, $0x0;
	s0 =	rddreg [dreg:$0x3]  }
0xa7: {  	s0 =	sadd.s32 @!p0 $0x100000, s0  }
0xa8: {  	[sflag:s0] =	ssyncadd.tile.s32 @!p0 $0x1;
	_ =	shalt  }
.Lfunc_end2:
_tile_overlayer_lowered:
.L_overlay_start_2:
0xa9: {  	(tag) =	ssettag $0x2  }
0xaa: {  	s0 =	rddreg [dreg:$0x0];
	s2 =	stileid.u32  }
0xab: {  	s1 =	rddreg [dreg:$0x1];
	p0 =	sne.s32 s2, $0x0  }
0xac: {  	s3 =	rddreg [dreg:$0x2];
	[bflag:$0x3] =	sbarrier.arrive $0xFFFF;
	s2 =	simm.s32 @!p0 $0x1C05  }
0xad: {  	[timem:s3], [sflag:s2] =	dma.local @!p0 [hbm:s0], s1  }
0xae: {  	s0 =	simm.s32 @!p0 $0x5  }
0xaf: {  	_ =	swait.ge @!p0 [sflag:s0], s1  }
0xb0: {  	s1 =	ssub.s32 @!p0 $0x0, s1;
	[sflag:s0] =	ssyncset.done @!p0 $0x0  }
0xb1: {  	[sflag:s0] =	ssyncadd.s32 @!p0 s1  }
0xb2: {  	[bflag:$0x3] =	sbarrier.arrive $0xFFFF  }
0xb3: {  	_ =	shalt  }

</sc_bundles>
